<compile_context>
chip_gen: v7x
topology: tpu7x:2x2x1
jax: 0.10.2.dev20260603
libtpu: 0.0.44.dev20260713+nightly
codegen_flags: <defaults>
</compile_context>

<pallas_src>
import jax
import jax.numpy as jnp
from jax import lax
from jax.experimental import pallas as pl
from jax.experimental.pallas import tpu as pltpu
from jax.experimental.pallas import tpu_sc as plsc

N = 320000
D = 128
S = 10000
NC = 2
NS = 16
NW = NC * NS
R = N // NW
CH = 64
NFULL = R // CH
TAIL = R - NFULL * CH
NB = 4
NM = NFULL // NB
SPW = 624
SREM = S - NS * SPW
ZSL = NB - 1

_MESH = plsc.VectorSubcoreMesh(
    core_axis_name="c", subcore_axis_name="s", num_cores=NC, num_subcores=NS
)


def _vector_counts(cnt_local, iv):
    cnt, last = plsc.scan_count(iv)
    plsc.addupdate_scatter(cnt_local, [iv], cnt.astype(jnp.float32), mask=last)


def _sum_body(data_hbm, seg_hbm, acc_out, cnt_out,
              dbuf, ibuf, itail, cnt_local, dsem, isem, ssem, acc_sh):
    cid = lax.axis_index("c")
    sid = lax.axis_index("s")
    wid = cid * NS + sid
    base = wid * R

    zeros16 = jnp.zeros((16,), jnp.float32)

    for b in range(ZSL):
        off = base + b * CH
        pltpu.async_copy(data_hbm.at[pl.ds(off, CH)], dbuf.at[b], dsem.at[b])
        pltpu.async_copy(seg_hbm.at[pl.ds(off, CH)], ibuf.at[b], isem.at[b])

    def init_row(r, carry):
        for k in range(D // 16):
            dbuf[ZSL, r, pl.ds(k * 16, 16)] = zeros16
        return carry

    lax.fori_loop(0, CH, init_row, 0)

    zcopies = [
        pltpu.async_copy(dbuf.at[ZSL, pl.ds(0, w)],
                         acc_sh.at[pl.ds(sid * SPW + o, w)], ssem.at[ZSL])
        for o, w in [(0, 64), (64, 64), (128, 64), (192, 64), (256, 64),
                     (320, 64), (384, 64), (448, 64), (512, 64), (576, 48)]
    ]

    @pl.when(sid == NS - 1)
    def _zero_rem():
        pltpu.sync_copy(dbuf.at[ZSL, pl.ds(0, SREM)],
                        acc_sh.at[pl.ds(NS * SPW, SREM)])

    def init_cnt(j, carry):
        cnt_local[pl.ds(j * 16, 16)] = zeros16
        return carry

    lax.fori_loop(0, S // 16, init_cnt, 0)

    for zc in zcopies:
        zc.wait()

    zoff = base + ZSL * CH
    pltpu.async_copy(data_hbm.at[pl.ds(zoff, CH)], dbuf.at[ZSL], dsem.at[ZSL])
    pltpu.async_copy(seg_hbm.at[pl.ds(zoff, CH)], ibuf.at[ZSL], isem.at[ZSL])

    plsc.subcore_barrier()

    def macro(m, carry):
        for b in range(NB):
            c = m * NB + b
            off = base + c * CH
            pltpu.make_async_copy(data_hbm.at[pl.ds(off, CH)],
                                  dbuf.at[b], dsem.at[b]).wait()
            pltpu.make_async_copy(seg_hbm.at[pl.ds(off, CH)],
                                  ibuf.at[b], isem.at[b]).wait()
            for k in range(CH // 16):
                _vector_counts(cnt_local, ibuf[b, pl.ds(k * 16, 16)])
            pltpu.async_copy(dbuf.at[b], acc_sh.at[ibuf.at[b]], ssem.at[b],
                             add=True)

            prev = (b + NB - 1) % NB

            @pl.when(c >= 1)
            def _retire_prev():
                pltpu.make_async_copy(dbuf.at[prev], acc_sh.at[ibuf.at[prev]],
                                      ssem.at[prev]).wait()

            @pl.when((c >= 1) & (c + NB - 1 < NFULL))
            def _refill_prev():
                noff = base + (c + NB - 1) * CH
                pltpu.async_copy(data_hbm.at[pl.ds(noff, CH)],
                                 dbuf.at[prev], dsem.at[prev])
                pltpu.async_copy(seg_hbm.at[pl.ds(noff, CH)],
                                 ibuf.at[prev], isem.at[prev])
        return carry

    lax.fori_loop(0, NM, macro, 0)

    pltpu.make_async_copy(dbuf.at[NB - 1], acc_sh.at[ibuf.at[NB - 1]],
                          ssem.at[NB - 1]).wait()

    toff = base + NFULL * CH
    pltpu.sync_copy(data_hbm.at[pl.ds(toff, TAIL)], dbuf.at[0, pl.ds(0, TAIL)])
    pltpu.sync_copy(seg_hbm.at[pl.ds(toff, TAIL)], itail)
    pltpu.sync_copy(dbuf.at[0, pl.ds(0, TAIL)], acc_sh.at[itail], add=True)
    _vector_counts(cnt_local, itail[...])

    pltpu.sync_copy(cnt_local, cnt_out.at[pl.ds(wid * S, S)])

    plsc.subcore_barrier()

    r0 = sid * SPW
    pltpu.sync_copy(acc_sh.at[pl.ds(r0, SPW)], acc_out.at[cid, pl.ds(r0, SPW)])

    @pl.when(sid == NS - 1)
    def _read_rem():
        b = NS * SPW
        pltpu.sync_copy(acc_sh.at[pl.ds(b, SREM)], acc_out.at[cid, pl.ds(b, SREM)])


def _sc_sums_counts(data, seg):
    return pl.kernel(
        _sum_body,
        out_type=(
            jax.ShapeDtypeStruct((NC, S, D), jnp.float32),
            jax.ShapeDtypeStruct((NW * S,), jnp.float32),
        ),
        mesh=_MESH,
        compiler_params=pltpu.CompilerParams(needs_layout_passes=False),
        scratch_types=[
            pltpu.VMEM((NB, CH, D), jnp.float32),
            pltpu.VMEM((NB, CH), jnp.int32),
            pltpu.VMEM((TAIL,), jnp.int32),
            pltpu.VMEM((S,), jnp.float32),
            pltpu.SemaphoreType.DMA((NB,)),
            pltpu.SemaphoreType.DMA((NB,)),
            pltpu.SemaphoreType.DMA((NB,)),
            pltpu.VMEM_SHARED((S, D), jnp.float32),
        ],
    )(data, seg)


def _combine_body(acc_ref, cnt_ref, out_ref):
    sums = acc_ref[0] + acc_ref[1]
    ones = jnp.ones((NW, 1), jnp.float32)
    counts = lax.dot_general(cnt_ref[...], ones, (((0,), (0,)), ((), ())),
                             preferred_element_type=jnp.float32)
    out_ref[...] = sums / jnp.maximum(counts, 1.0)


@jax.jit
def kernel(data, segment_ids):
    seg = segment_ids.astype(jnp.int32)
    acc, cnt = _sc_sums_counts(data, seg)
    return pl.pallas_call(
        _combine_body,
        out_shape=jax.ShapeDtypeStruct((S, D), jnp.float32),
    )(acc, cnt.reshape(NW, S))

# --- scband reference (transcript-rebuilt; emitter-appended) ---
"""Pipeline reference for scband-atomwise-reduce-49976239456290 (READ-ONLY COPY).

The authoritative reference and input builder live on the scoring server;
editing this copy changes nothing except your own understanding.
"""

import jax, jax.numpy as jnp
import numpy as np

NUM_SEGMENTS = 10000

def setup_inputs(seed: int = 0) -> dict:
    key = jax.random.key(seed)
    k1, k2 = jax.random.split(key)
    data = jax.random.normal(k1, (320000, 128), dtype=jnp.float32)
    segment_ids = jnp.sort(jax.random.randint(k2, (320000,), 0, NUM_SEGMENTS, dtype=jnp.int64))
    return {"data": data, "segment_ids": segment_ids}

def reference(data, segment_ids):
    # AtomwiseReduce with pooling_type='mean', reduction_level='residue', constant=1.0
    # scatter(features, batch_index, dim=0, reduce='mean')
    sums = jax.ops.segment_sum(data, segment_ids, num_segments=NUM_SEGMENTS)
    counts = jax.ops.segment_sum(jnp.ones((data.shape[0],), dtype=data.dtype), segment_ids, num_segments=NUM_SEGMENTS)
    counts = jnp.maximum(counts, 1.0)
    result = sums / counts[:, None]
    return result

if __name__ == "__main__":
    import jax
    _d = setup_inputs()
    print(jax.jit(kernel)(*tuple(_d.values())))

</pallas_src>

<mosaic_0001>
#map = affine_map<(d0, d1) -> (0, 0)>
#map1 = affine_map<(d0, d1) -> (0)>
#map2 = affine_map<(d0, d1) -> (0, 0, 0)>
module attributes {stable_mosaic.version = 14 : i64} {
  func.func @_sum_body(%arg0: i32, %arg1: i32, %arg2: memref<320000x128xf32, #tpu.memory_space<hbm>>, %arg3: memref<320000xi32, #tpu.memory_space<hbm>>, %arg4: memref<2x10000x128xf32, #tpu.memory_space<hbm>>, %arg5: memref<320000xf32, #tpu.memory_space<hbm>>, %arg6: memref<4x64x128xf32, #tpu.memory_space<vmem>>, %arg7: memref<4x64xi32, #tpu.memory_space<vmem>>, %arg8: memref<16xi32, #tpu.memory_space<vmem>>, %arg9: memref<10000xf32, #tpu.memory_space<vmem>>, %arg10: memref<4x!tpu.dma_semaphore, #tpu.memory_space<semaphore_mem>>, %arg11: memref<4x!tpu.dma_semaphore, #tpu.memory_space<semaphore_mem>>, %arg12: memref<4x!tpu.dma_semaphore, #tpu.memory_space<semaphore_mem>>, %arg13: memref<10000x128xf32, #tpu.memory_space<vmem_shared>>) attributes {dimension_semantics = [#tpu.dimension_semantics<core_parallel>, #tpu.dimension_semantics<subcore_parallel>], iteration_bounds = array<i64: 2, 16>, scalar_prefetch = 0 : i64, scratch_operands = 8 : i64, tpu.core_type = #tpu.core_type<sc_vector_subcore>, window_params = [{transform_indices = #map}, {transform_indices = #map1}, {transform_indices = #map2}, {transform_indices = #map1}]} {
    %mul3A = arith.constant 16 : i32
    %mul3A_0 = arith.muli %arg0, %mul3A : i32
    %add3A = arith.addi %mul3A_0, %arg1 : i32
    %mul3A_1 = arith.constant 10000 : i32
    %mul3A_2 = arith.muli %add3A, %mul3A_1 : i32
    %broadcast_in_dim3A = arith.constant 0.000000e+00 : f32
    %broadcast_in_dim3A_3 = vector.broadcast %broadcast_in_dim3A : f32 to vector<16xf32>
    %add3A_4 = arith.constant 0 : i32
    %add3A_5 = arith.addi %mul3A_2, %add3A_4 : i32
    %dma_start3A = arith.constant 0 : i32
    %dma_start3A_6 = arith.constant 0 : i32
    %dma_start3A_7 = arith.constant 0 : i32
    %dma_start3A_8 = arith.constant 0 : i32
    %dma_start3A_9 = tpu.memref_slice %arg6[%dma_start3A, %dma_start3A_7, %dma_start3A_8] : memref<4x64x128xf32, #tpu.memory_space<vmem>> -> memref<1x64x128xf32, #tpu.memory_space<vmem>>
    %dma_start3A_10 = tpu.memref_squeeze %dma_start3A_9 : memref<1x64x128xf32, #tpu.memory_space<vmem>> -> memref<64x128xf32, #tpu.memory_space<vmem>>
    %dma_start3A_11 = arith.constant 0 : i32
    %dma_start3A_12 = tpu.memref_slice %arg2[%add3A_5, %dma_start3A_11] : memref<320000x128xf32, #tpu.memory_space<hbm>> -> memref<64x128xf32, #tpu.memory_space<hbm>>
    %dma_start3A_13 = tpu.memref_slice %arg10[%dma_start3A_6] : memref<4x!tpu.dma_semaphore, #tpu.memory_space<semaphore_mem>> -> memref<1x!tpu.dma_semaphore, #tpu.memory_space<semaphore_mem>>
    %dma_start3A_14 = tpu.memref_squeeze %dma_start3A_13 : memref<1x!tpu.dma_semaphore, #tpu.memory_space<semaphore_mem>> -> memref<!tpu.dma_semaphore, #tpu.memory_space<semaphore_mem>>
    %dma_start3A_15 = arith.constant 0 : i32
    %dma_start3A_16 = arith.constant 0 : i32
    %dma_start3A_17 = tpu.memref_slice %arg6[%dma_start3A, %dma_start3A_15, %dma_start3A_16] : memref<4x64x128xf32, #tpu.memory_space<vmem>> -> memref<1x64x128xf32, #tpu.memory_space<vmem>>
    %dma_start3A_18 = tpu.memref_squeeze %dma_start3A_17 : memref<1x64x128xf32, #tpu.memory_space<vmem>> -> memref<64x128xf32, #tpu.memory_space<vmem>>
    %dma_start3A_19 = arith.constant 0 : i32
    %dma_start3A_20 = tpu.memref_slice %arg2[%add3A_5, %dma_start3A_19] : memref<320000x128xf32, #tpu.memory_space<hbm>> -> memref<64x128xf32, #tpu.memory_space<hbm>>
    tpu.enqueue_dma source(%dma_start3A_20 : memref<64x128xf32, #tpu.memory_space<hbm>>) target(%dma_start3A_18 : memref<64x128xf32, #tpu.memory_space<vmem>>) target_semaphore(%dma_start3A_14 : memref<!tpu.dma_semaphore, #tpu.memory_space<semaphore_mem>>)
    %dma_start3A_21 = arith.constant 0 : i32
    %dma_start3A_22 = arith.constant 0 : i32
    %dma_start3A_23 = arith.constant 0 : i32
    %dma_start3A_24 = tpu.memref_slice %arg7[%dma_start3A_21, %dma_start3A_23] : memref<4x64xi32, #tpu.memory_space<vmem>> -> memref<1x64xi32, #tpu.memory_space<vmem>>
    %dma_start3A_25 = tpu.memref_squeeze %dma_start3A_24 : memref<1x64xi32, #tpu.memory_space<vmem>> -> memref<64xi32, #tpu.memory_space<vmem>>
    %dma_start3A_26 = tpu.memref_slice %arg3[%add3A_5] : memref<320000xi32, #tpu.memory_space<hbm>> -> memref<64xi32, #tpu.memory_space<hbm>>
    %dma_start3A_27 = tpu.memref_slice %arg11[%dma_start3A_22] : memref<4x!tpu.dma_semaphore, #tpu.memory_space<semaphore_mem>> -> memref<1x!tpu.dma_semaphore, #tpu.memory_space<semaphore_mem>>
    %dma_start3A_28 = tpu.memref_squeeze %dma_start3A_27 : memref<1x!tpu.dma_semaphore, #tpu.memory_space<semaphore_mem>> -> memref<!tpu.dma_semaphore, #tpu.memory_space<semaphore_mem>>
    %dma_start3A_29 = arith.constant 0 : i32
    %dma_start3A_30 = tpu.memref_slice %arg7[%dma_start3A_21, %dma_start3A_29] : memref<4x64xi32, #tpu.memory_space<vmem>> -> memref<1x64xi32, #tpu.memory_space<vmem>>
    %dma_start3A_31 = tpu.memref_squeeze %dma_start3A_30 : memref<1x64xi32, #tpu.memory_space<vmem>> -> memref<64xi32, #tpu.memory_space<vmem>>
    %dma_start3A_32 = tpu.memref_slice %arg3[%add3A_5] : memref<320000xi32, #tpu.memory_space<hbm>> -> memref<64xi32, #tpu.memory_space<hbm>>
    tpu.enqueue_dma source(%dma_start3A_32 : memref<64xi32, #tpu.memory_space<hbm>>) target(%dma_start3A_31 : memref<64xi32, #tpu.memory_space<vmem>>) target_semaphore(%dma_start3A_28 : memref<!tpu.dma_semaphore, #tpu.memory_space<semaphore_mem>>)
    %add3A_33 = arith.constant 64 : i32
    %add3A_34 = arith.addi %mul3A_2, %add3A_33 : i32
    %dma_start3A_35 = arith.constant 1 : i32
    %dma_start3A_36 = arith.constant 1 : i32
    %dma_start3A_37 = arith.constant 0 : i32
    %dma_start3A_38 = arith.constant 0 : i32
    %dma_start3A_39 = tpu.memref_slice %arg6[%dma_start3A_35, %dma_start3A_37, %dma_start3A_38] : memref<4x64x128xf32, #tpu.memory_space<vmem>> -> memref<1x64x128xf32, #tpu.memory_space<vmem>>
    %dma_start3A_40 = tpu.memref_squeeze %dma_start3A_39 : memref<1x64x128xf32, #tpu.memory_space<vmem>> -> memref<64x128xf32, #tpu.memory_space<vmem>>
    %dma_start3A_41 = arith.constant 0 : i32
    %dma_start3A_42 = tpu.memref_slice %arg2[%add3A_34, %dma_start3A_41] : memref<320000x128xf32, #tpu.memory_space<hbm>> -> memref<64x128xf32, #tpu.memory_space<hbm>>
    %dma_start3A_43 = tpu.memref_slice %arg10[%dma_start3A_36] : memref<4x!tpu.dma_semaphore, #tpu.memory_space<semaphore_mem>> -> memref<1x!tpu.dma_semaphore, #tpu.memory_space<semaphore_mem>>
    %dma_start3A_44 = tpu.memref_squeeze %dma_start3A_43 : memref<1x!tpu.dma_semaphore, #tpu.memory_space<semaphore_mem>> -> memref<!tpu.dma_semaphore, #tpu.memory_space<semaphore_mem>>
    %dma_start3A_45 = arith.constant 0 : i32
    %dma_start3A_46 = arith.constant 0 : i32
    %dma_start3A_47 = tpu.memref_slice %arg6[%dma_start3A_35, %dma_start3A_45, %dma_start3A_46] : memref<4x64x128xf32, #tpu.memory_space<vmem>> -> memref<1x64x128xf32, #tpu.memory_space<vmem>>
    %dma_start3A_48 = tpu.memref_squeeze %dma_start3A_47 : memref<1x64x128xf32, #tpu.memory_space<vmem>> -> memref<64x128xf32, #tpu.memory_space<vmem>>
    %dma_start3A_49 = arith.constant 0 : i32
    %dma_start3A_50 = tpu.memref_slice %arg2[%add3A_34, %dma_start3A_49] : memref<320000x128xf32, #tpu.memory_space<hbm>> -> memref<64x128xf32, #tpu.memory_space<hbm>>
    tpu.enqueue_dma source(%dma_start3A_50 : memref<64x128xf32, #tpu.memory_space<hbm>>) target(%dma_start3A_48 : memref<64x128xf32, #tpu.memory_space<vmem>>) target_semaphore(%dma_start3A_44 : memref<!tpu.dma_semaphore, #tpu.memory_space<semaphore_mem>>)
    %dma_start3A_51 = arith.constant 1 : i32
    %dma_start3A_52 = arith.constant 1 : i32
    %dma_start3A_53 = arith.constant 0 : i32
    %dma_start3A_54 = tpu.memref_slice %arg7[%dma_start3A_51, %dma_start3A_53] : memref<4x64xi32, #tpu.memory_space<vmem>> -> memref<1x64xi32, #tpu.memory_space<vmem>>
    %dma_start3A_55 = tpu.memref_squeeze %dma_start3A_54 : memref<1x64xi32, #tpu.memory_space<vmem>> -> memref<64xi32, #tpu.memory_space<vmem>>
    %dma_start3A_56 = tpu.memref_slice %arg3[%add3A_34] : memref<320000xi32, #tpu.memory_space<hbm>> -> memref<64xi32, #tpu.memory_space<hbm>>
    %dma_start3A_57 = tpu.memref_slice %arg11[%dma_start3A_52] : memref<4x!tpu.dma_semaphore, #tpu.memory_space<semaphore_mem>> -> memref<1x!tpu.dma_semaphore, #tpu.memory_space<semaphore_mem>>
    %dma_start3A_58 = tpu.memref_squeeze %dma_start3A_57 : memref<1x!tpu.dma_semaphore, #tpu.memory_space<semaphore_mem>> -> memref<!tpu.dma_semaphore, #tpu.memory_space<semaphore_mem>>
    %dma_start3A_59 = arith.constant 0 : i32
    %dma_start3A_60 = tpu.memref_slice %arg7[%dma_start3A_51, %dma_start3A_59] : memref<4x64xi32, #tpu.memory_space<vmem>> -> memref<1x64xi32, #tpu.memory_space<vmem>>
    %dma_start3A_61 = tpu.memref_squeeze %dma_start3A_60 : memref<1x64xi32, #tpu.memory_space<vmem>> -> memref<64xi32, #tpu.memory_space<vmem>>
    %dma_start3A_62 = tpu.memref_slice %arg3[%add3A_34] : memref<320000xi32, #tpu.memory_space<hbm>> -> memref<64xi32, #tpu.memory_space<hbm>>
    tpu.enqueue_dma source(%dma_start3A_62 : memref<64xi32, #tpu.memory_space<hbm>>) target(%dma_start3A_61 : memref<64xi32, #tpu.memory_space<vmem>>) target_semaphore(%dma_start3A_58 : memref<!tpu.dma_semaphore, #tpu.memory_space<semaphore_mem>>)
    %add3A_63 = arith.constant 128 : i32
    %add3A_64 = arith.addi %mul3A_2, %add3A_63 : i32
    %dma_start3A_65 = arith.constant 2 : i32
    %dma_start3A_66 = arith.constant 2 : i32
    %dma_start3A_67 = arith.constant 0 : i32
    %dma_start3A_68 = arith.constant 0 : i32
    %dma_start3A_69 = tpu.memref_slice %arg6[%dma_start3A_65, %dma_start3A_67, %dma_start3A_68] : memref<4x64x128xf32, #tpu.memory_space<vmem>> -> memref<1x64x128xf32, #tpu.memory_space<vmem>>
    %dma_start3A_70 = tpu.memref_squeeze %dma_start3A_69 : memref<1x64x128xf32, #tpu.memory_space<vmem>> -> memref<64x128xf32, #tpu.memory_space<vmem>>
    %dma_start3A_71 = arith.constant 0 : i32
    %dma_start3A_72 = tpu.memref_slice %arg2[%add3A_64, %dma_start3A_71] : memref<320000x128xf32, #tpu.memory_space<hbm>> -> memref<64x128xf32, #tpu.memory_space<hbm>>
    %dma_start3A_73 = tpu.memref_slice %arg10[%dma_start3A_66] : memref<4x!tpu.dma_semaphore, #tpu.memory_space<semaphore_mem>> -> memref<1x!tpu.dma_semaphore, #tpu.memory_space<semaphore_mem>>
    %dma_start3A_74 = tpu.memref_squeeze %dma_start3A_73 : memref<1x!tpu.dma_semaphore, #tpu.memory_space<semaphore_mem>> -> memref<!tpu.dma_semaphore, #tpu.memory_space<semaphore_mem>>
    %dma_start3A_75 = arith.constant 0 : i32
    %dma_start3A_76 = arith.constant 0 : i32
    %dma_start3A_77 = tpu.memref_slice %arg6[%dma_start3A_65, %dma_start3A_75, %dma_start3A_76] : memref<4x64x128xf32, #tpu.memory_space<vmem>> -> memref<1x64x128xf32, #tpu.memory_space<vmem>>
    %dma_start3A_78 = tpu.memref_squeeze %dma_start3A_77 : memref<1x64x128xf32, #tpu.memory_space<vmem>> -> memref<64x128xf32, #tpu.memory_space<vmem>>
    %dma_start3A_79 = arith.constant 0 : i32
    %dma_start3A_80 = tpu.memref_slice %arg2[%add3A_64, %dma_start3A_79] : memref<320000x128xf32, #tpu.memory_space<hbm>> -> memref<64x128xf32, #tpu.memory_space<hbm>>
    tpu.enqueue_dma source(%dma_start3A_80 : memref<64x128xf32, #tpu.memory_space<hbm>>) target(%dma_start3A_78 : memref<64x128xf32, #tpu.memory_space<vmem>>) target_semaphore(%dma_start3A_74 : memref<!tpu.dma_semaphore, #tpu.memory_space<semaphore_mem>>)
    %dma_start3A_81 = arith.constant 2 : i32
    %dma_start3A_82 = arith.constant 2 : i32
    %dma_start3A_83 = arith.constant 0 : i32
    %dma_start3A_84 = tpu.memref_slice %arg7[%dma_start3A_81, %dma_start3A_83] : memref<4x64xi32, #tpu.memory_space<vmem>> -> memref<1x64xi32, #tpu.memory_space<vmem>>
    %dma_start3A_85 = tpu.memref_squeeze %dma_start3A_84 : memref<1x64xi32, #tpu.memory_space<vmem>> -> memref<64xi32, #tpu.memory_space<vmem>>
    %dma_start3A_86 = tpu.memref_slice %arg3[%add3A_64] : memref<320000xi32, #tpu.memory_space<hbm>> -> memref<64xi32, #tpu.memory_space<hbm>>
    %dma_start3A_87 = tpu.memref_slice %arg11[%dma_start3A_82] : memref<4x!tpu.dma_semaphore, #tpu.memory_space<semaphore_mem>> -> memref<1x!tpu.dma_semaphore, #tpu.memory_space<semaphore_mem>>
    %dma_start3A_88 = tpu.memref_squeeze %dma_start3A_87 : memref<1x!tpu.dma_semaphore, #tpu.memory_space<semaphore_mem>> -> memref<!tpu.dma_semaphore, #tpu.memory_space<semaphore_mem>>
    %dma_start3A_89 = arith.constant 0 : i32
    %dma_start3A_90 = tpu.memref_slice %arg7[%dma_start3A_81, %dma_start3A_89] : memref<4x64xi32, #tpu.memory_space<vmem>> -> memref<1x64xi32, #tpu.memory_space<vmem>>
    %dma_start3A_91 = tpu.memref_squeeze %dma_start3A_90 : memref<1x64xi32, #tpu.memory_space<vmem>> -> memref<64xi32, #tpu.memory_space<vmem>>
    %dma_start3A_92 = tpu.memref_slice %arg3[%add3A_64] : memref<320000xi32, #tpu.memory_space<hbm>> -> memref<64xi32, #tpu.memory_space<hbm>>
    tpu.enqueue_dma source(%dma_start3A_92 : memref<64xi32, #tpu.memory_space<hbm>>) target(%dma_start3A_91 : memref<64xi32, #tpu.memory_space<vmem>>) target_semaphore(%dma_start3A_88 : memref<!tpu.dma_semaphore, #tpu.memory_space<semaphore_mem>>)
    %scan3A = arith.constant 0 : i32
    %scan3A_93 = arith.constant 0 : i32
    %scan3A_94 = arith.constant 64 : i32
    %scan3A_95 = arith.addi %scan3A_93, %scan3A_94 : i32
    %scan3A_96 = arith.constant 1 : i32
    scf.for %scan3A_534 = %scan3A_93 to %scan3A_95 step %scan3A_96  : i32 {
      %swap3A = arith.constant 3 : i32
      %swap3A_535 = arith.index_cast %swap3A : i32 to index
      %swap3A_536 = arith.index_cast %scan3A_534 : i32 to index
      %swap3A_537 = arith.constant 0 : index
      %swap3A_538 = tpu.vector_load %arg6[%swap3A_535, %swap3A_536, %swap3A_537] {strides = array<i32>} : memref<4x64x128xf32, #tpu.memory_space<vmem>>, vector<16xf32>,
      tpu.vector_store %arg6[%swap3A_535, %swap3A_536, %swap3A_537], %broadcast_in_dim3A_3 {strides = array<i32>} : memref<4x64x128xf32, #tpu.memory_space<vmem>>, vector<16xf32>,
      %swap3A_539 = arith.constant 3 : i32
      %swap3A_540 = arith.index_cast %swap3A_539 : i32 to index
      %swap3A_541 = arith.index_cast %scan3A_534 : i32 to index
      %swap3A_542 = arith.constant 16 : index
      %swap3A_543 = tpu.vector_load %arg6[%swap3A_540, %swap3A_541, %swap3A_542] {strides = array<i32>} : memref<4x64x128xf32, #tpu.memory_space<vmem>>, vector<16xf32>,
      tpu.vector_store %arg6[%swap3A_540, %swap3A_541, %swap3A_542], %broadcast_in_dim3A_3 {strides = array<i32>} : memref<4x64x128xf32, #tpu.memory_space<vmem>>, vector<16xf32>,
      %swap3A_544 = arith.constant 3 : i32
      %swap3A_545 = arith.index_cast %swap3A_544 : i32 to index
      %swap3A_546 = arith.index_cast %scan3A_534 : i32 to index
      %swap3A_547 = arith.constant 32 : index
      %swap3A_548 = tpu.vector_load %arg6[%swap3A_545, %swap3A_546, %swap3A_547] {strides = array<i32>} : memref<4x64x128xf32, #tpu.memory_space<vmem>>, vector<16xf32>,
      tpu.vector_store %arg6[%swap3A_545, %swap3A_546, %swap3A_547], %broadcast_in_dim3A_3 {strides = array<i32>} : memref<4x64x128xf32, #tpu.memory_space<vmem>>, vector<16xf32>,
      %swap3A_549 = arith.constant 3 : i32
      %swap3A_550 = arith.index_cast %swap3A_549 : i32 to index
      %swap3A_551 = arith.index_cast %scan3A_534 : i32 to index
      %swap3A_552 = arith.constant 48 : index
      %swap3A_553 = tpu.vector_load %arg6[%swap3A_550, %swap3A_551, %swap3A_552] {strides = array<i32>} : memref<4x64x128xf32, #tpu.memory_space<vmem>>, vector<16xf32>,
      tpu.vector_store %arg6[%swap3A_550, %swap3A_551, %swap3A_552], %broadcast_in_dim3A_3 {strides = array<i32>} : memref<4x64x128xf32, #tpu.memory_space<vmem>>, vector<16xf32>,
      %swap3A_554 = arith.constant 3 : i32
      %swap3A_555 = arith.index_cast %swap3A_554 : i32 to index
      %swap3A_556 = arith.index_cast %scan3A_534 : i32 to index
      %swap3A_557 = arith.constant 64 : index
      %swap3A_558 = tpu.vector_load %arg6[%swap3A_555, %swap3A_556, %swap3A_557] {strides = array<i32>} : memref<4x64x128xf32, #tpu.memory_space<vmem>>, vector<16xf32>,
      tpu.vector_store %arg6[%swap3A_555, %swap3A_556, %swap3A_557], %broadcast_in_dim3A_3 {strides = array<i32>} : memref<4x64x128xf32, #tpu.memory_space<vmem>>, vector<16xf32>,
      %swap3A_559 = arith.constant 3 : i32
      %swap3A_560 = arith.index_cast %swap3A_559 : i32 to index
      %swap3A_561 = arith.index_cast %scan3A_534 : i32 to index
      %swap3A_562 = arith.constant 80 : index
      %swap3A_563 = tpu.vector_load %arg6[%swap3A_560, %swap3A_561, %swap3A_562] {strides = array<i32>} : memref<4x64x128xf32, #tpu.memory_space<vmem>>, vector<16xf32>,
      tpu.vector_store %arg6[%swap3A_560, %swap3A_561, %swap3A_562], %broadcast_in_dim3A_3 {strides = array<i32>} : memref<4x64x128xf32, #tpu.memory_space<vmem>>, vector<16xf32>,
      %swap3A_564 = arith.constant 3 : i32
      %swap3A_565 = arith.index_cast %swap3A_564 : i32 to index
      %swap3A_566 = arith.index_cast %scan3A_534 : i32 to index
      %swap3A_567 = arith.constant 96 : index
      %swap3A_568 = tpu.vector_load %arg6[%swap3A_565, %swap3A_566, %swap3A_567] {strides = array<i32>} : memref<4x64x128xf32, #tpu.memory_space<vmem>>, vector<16xf32>,
      tpu.vector_store %arg6[%swap3A_565, %swap3A_566, %swap3A_567], %broadcast_in_dim3A_3 {strides = array<i32>} : memref<4x64x128xf32, #tpu.memory_space<vmem>>, vector<16xf32>,
      %swap3A_569 = arith.constant 3 : i32
      %swap3A_570 = arith.index_cast %swap3A_569 : i32 to index
      %swap3A_571 = arith.index_cast %scan3A_534 : i32 to index
      %swap3A_572 = arith.constant 112 : index
      %swap3A_573 = tpu.vector_load %arg6[%swap3A_570, %swap3A_571, %swap3A_572] {strides = array<i32>} : memref<4x64x128xf32, #tpu.memory_space<vmem>>, vector<16xf32>,
      tpu.vector_store %arg6[%swap3A_570, %swap3A_571, %swap3A_572], %broadcast_in_dim3A_3 {strides = array<i32>} : memref<4x64x128xf32, #tpu.memory_space<vmem>>, vector<16xf32>,
    }
    %scan3A_97 = arith.constant 64 : i32
    %mul3A_98 = arith.constant 624 : i32
    %mul3A_99 = arith.muli %arg1, %mul3A_98 : i32
    %add3A_100 = arith.constant 0 : i32
    %add3A_101 = arith.addi %mul3A_99, %add3A_100 : i32
    %dma_start3A_102 = arith.constant 3 : i32
    %dma_start3A_103 = arith.constant 3 : i32
    %dma_start3A_104 = arith.constant 0 : i32
    %dma_start3A_105 = arith.constant 0 : i32
    %dma_start3A_106 = tpu.memref_slice %arg6[%dma_start3A_102, %dma_start3A_104, %dma_start3A_105] : memref<4x64x128xf32, #tpu.memory_space<vmem>> -> memref<1x64x128xf32, #tpu.memory_space<vmem>>
    %dma_start3A_107 = tpu.memref_squeeze %dma_start3A_106 : memref<1x64x128xf32, #tpu.memory_space<vmem>> -> memref<64x128xf32, #tpu.memory_space<vmem>>
    %dma_start3A_108 = arith.constant 0 : i32
    %dma_start3A_109 = tpu.memref_slice %arg13[%add3A_101, %dma_start3A_108] : memref<10000x128xf32, #tpu.memory_space<vmem_shared>> -> memref<64x128xf32, #tpu.memory_space<vmem_shared>>
    %dma_start3A_110 = tpu.memref_slice %arg12[%dma_start3A_103] : memref<4x!tpu.dma_semaphore, #tpu.memory_space<semaphore_mem>> -> memref<1x!tpu.dma_semaphore, #tpu.memory_space<semaphore_mem>>
    %dma_start3A_111 = tpu.memref_squeeze %dma_start3A_110 : memref<1x!tpu.dma_semaphore, #tpu.memory_space<semaphore_mem>> -> memref<!tpu.dma_semaphore, #tpu.memory_space<semaphore_mem>>
    %dma_start3A_112 = arith.constant 0 : i32
    %dma_start3A_113 = tpu.memref_slice %arg13[%add3A_101, %dma_start3A_112] : memref<10000x128xf32, #tpu.memory_space<vmem_shared>> -> memref<64x128xf32, #tpu.memory_space<vmem_shared>>
    %dma_start3A_114 = arith.constant 0 : i32
    %dma_start3A_115 = arith.constant 0 : i32
    %dma_start3A_116 = tpu.memref_slice %arg6[%dma_start3A_102, %dma_start3A_114, %dma_start3A_115] : memref<4x64x128xf32, #tpu.memory_space<vmem>> -> memref<1x64x128xf32, #tpu.memory_space<vmem>>
    %dma_start3A_117 = tpu.memref_squeeze %dma_start3A_116 : memref<1x64x128xf32, #tpu.memory_space<vmem>> -> memref<64x128xf32, #tpu.memory_space<vmem>>
    tpu.enqueue_dma source(%dma_start3A_117 : memref<64x128xf32, #tpu.memory_space<vmem>>) target(%dma_start3A_113 : memref<64x128xf32, #tpu.memory_space<vmem_shared>>) target_semaphore(%dma_start3A_111 : memref<!tpu.dma_semaphore, #tpu.memory_space<semaphore_mem>>)
    %mul3A_118 = arith.constant 624 : i32
    %mul3A_119 = arith.muli %arg1, %mul3A_118 : i32
    %add3A_120 = arith.constant 64 : i32
    %add3A_121 = arith.addi %mul3A_119, %add3A_120 : i32
    %dma_start3A_122 = arith.constant 3 : i32
    %dma_start3A_123 = arith.constant 3 : i32
    %dma_start3A_124 = arith.constant 0 : i32
    %dma_start3A_125 = arith.constant 0 : i32
    %dma_start3A_126 = tpu.memref_slice %arg6[%dma_start3A_122, %dma_start3A_124, %dma_start3A_125] : memref<4x64x128xf32, #tpu.memory_space<vmem>> -> memref<1x64x128xf32, #tpu.memory_space<vmem>>
    %dma_start3A_127 = tpu.memref_squeeze %dma_start3A_126 : memref<1x64x128xf32, #tpu.memory_space<vmem>> -> memref<64x128xf32, #tpu.memory_space<vmem>>
    %dma_start3A_128 = arith.constant 0 : i32
    %dma_start3A_129 = tpu.memref_slice %arg13[%add3A_121, %dma_start3A_128] : memref<10000x128xf32, #tpu.memory_space<vmem_shared>> -> memref<64x128xf32, #tpu.memory_space<vmem_shared>>
    %dma_start3A_130 = tpu.memref_slice %arg12[%dma_start3A_123] : memref<4x!tpu.dma_semaphore, #tpu.memory_space<semaphore_mem>> -> memref<1x!tpu.dma_semaphore, #tpu.memory_space<semaphore_mem>>
    %dma_start3A_131 = tpu.memref_squeeze %dma_start3A_130 : memref<1x!tpu.dma_semaphore, #tpu.memory_space<semaphore_mem>> -> memref<!tpu.dma_semaphore, #tpu.memory_space<semaphore_mem>>
    %dma_start3A_132 = arith.constant 0 : i32
    %dma_start3A_133 = tpu.memref_slice %arg13[%add3A_121, %dma_start3A_132] : memref<10000x128xf32, #tpu.memory_space<vmem_shared>> -> memref<64x128xf32, #tpu.memory_space<vmem_shared>>
    %dma_start3A_134 = arith.constant 0 : i32
    %dma_start3A_135 = arith.constant 0 : i32
    %dma_start3A_136 = tpu.memref_slice %arg6[%dma_start3A_122, %dma_start3A_134, %dma_start3A_135] : memref<4x64x128xf32, #tpu.memory_space<vmem>> -> memref<1x64x128xf32, #tpu.memory_space<vmem>>
    %dma_start3A_137 = tpu.memref_squeeze %dma_start3A_136 : memref<1x64x128xf32, #tpu.memory_space<vmem>> -> memref<64x128xf32, #tpu.memory_space<vmem>>
    tpu.enqueue_dma source(%dma_start3A_137 : memref<64x128xf32, #tpu.memory_space<vmem>>) target(%dma_start3A_133 : memref<64x128xf32, #tpu.memory_space<vmem_shared>>) target_semaphore(%dma_start3A_131 : memref<!tpu.dma_semaphore, #tpu.memory_space<semaphore_mem>>)
    %mul3A_138 = arith.constant 624 : i32
    %mul3A_139 = arith.muli %arg1, %mul3A_138 : i32
    %add3A_140 = arith.constant 128 : i32
    %add3A_141 = arith.addi %mul3A_139, %add3A_140 : i32
    %dma_start3A_142 = arith.constant 3 : i32
    %dma_start3A_143 = arith.constant 3 : i32
    %dma_start3A_144 = arith.constant 0 : i32
    %dma_start3A_145 = arith.constant 0 : i32
    %dma_start3A_146 = tpu.memref_slice %arg6[%dma_start3A_142, %dma_start3A_144, %dma_start3A_145] : memref<4x64x128xf32, #tpu.memory_space<vmem>> -> memref<1x64x128xf32, #tpu.memory_space<vmem>>
    %dma_start3A_147 = tpu.memref_squeeze %dma_start3A_146 : memref<1x64x128xf32, #tpu.memory_space<vmem>> -> memref<64x128xf32, #tpu.memory_space<vmem>>
    %dma_start3A_148 = arith.constant 0 : i32
    %dma_start3A_149 = tpu.memref_slice %arg13[%add3A_141, %dma_start3A_148] : memref<10000x128xf32, #tpu.memory_space<vmem_shared>> -> memref<64x128xf32, #tpu.memory_space<vmem_shared>>
    %dma_start3A_150 = tpu.memref_slice %arg12[%dma_start3A_143] : memref<4x!tpu.dma_semaphore, #tpu.memory_space<semaphore_mem>> -> memref<1x!tpu.dma_semaphore, #tpu.memory_space<semaphore_mem>>
    %dma_start3A_151 = tpu.memref_squeeze %dma_start3A_150 : memref<1x!tpu.dma_semaphore, #tpu.memory_space<semaphore_mem>> -> memref<!tpu.dma_semaphore, #tpu.memory_space<semaphore_mem>>
    %dma_start3A_152 = arith.constant 0 : i32
    %dma_start3A_153 = tpu.memref_slice %arg13[%add3A_141, %dma_start3A_152] : memref<10000x128xf32, #tpu.memory_space<vmem_shared>> -> memref<64x128xf32, #tpu.memory_space<vmem_shared>>
    %dma_start3A_154 = arith.constant 0 : i32
    %dma_start3A_155 = arith.constant 0 : i32
    %dma_start3A_156 = tpu.memref_slice %arg6[%dma_start3A_142, %dma_start3A_154, %dma_start3A_155] : memref<4x64x128xf32, #tpu.memory_space<vmem>> -> memref<1x64x128xf32, #tpu.memory_space<vmem>>
    %dma_start3A_157 = tpu.memref_squeeze %dma_start3A_156 : memref<1x64x128xf32, #tpu.memory_space<vmem>> -> memref<64x128xf32, #tpu.memory_space<vmem>>
    tpu.enqueue_dma source(%dma_start3A_157 : memref<64x128xf32, #tpu.memory_space<vmem>>) target(%dma_start3A_153 : memref<64x128xf32, #tpu.memory_space<vmem_shared>>) target_semaphore(%dma_start3A_151 : memref<!tpu.dma_semaphore, #tpu.memory_space<semaphore_mem>>)
    %mul3A_158 = arith.constant 624 : i32
    %mul3A_159 = arith.muli %arg1, %mul3A_158 : i32
    %add3A_160 = arith.constant 192 : i32
    %add3A_161 = arith.addi %mul3A_159, %add3A_160 : i32
    %dma_start3A_162 = arith.constant 3 : i32
    %dma_start3A_163 = arith.constant 3 : i32
    %dma_start3A_164 = arith.constant 0 : i32
    %dma_start3A_165 = arith.constant 0 : i32
    %dma_start3A_166 = tpu.memref_slice %arg6[%dma_start3A_162, %dma_start3A_164, %dma_start3A_165] : memref<4x64x128xf32, #tpu.memory_space<vmem>> -> memref<1x64x128xf32, #tpu.memory_space<vmem>>
    %dma_start3A_167 = tpu.memref_squeeze %dma_start3A_166 : memref<1x64x128xf32, #tpu.memory_space<vmem>> -> memref<64x128xf32, #tpu.memory_space<vmem>>
    %dma_start3A_168 = arith.constant 0 : i32
    %dma_start3A_169 = tpu.memref_slice %arg13[%add3A_161, %dma_start3A_168] : memref<10000x128xf32, #tpu.memory_space<vmem_shared>> -> memref<64x128xf32, #tpu.memory_space<vmem_shared>>
    %dma_start3A_170 = tpu.memref_slice %arg12[%dma_start3A_163] : memref<4x!tpu.dma_semaphore, #tpu.memory_space<semaphore_mem>> -> memref<1x!tpu.dma_semaphore, #tpu.memory_space<semaphore_mem>>
    %dma_start3A_171 = tpu.memref_squeeze %dma_start3A_170 : memref<1x!tpu.dma_semaphore, #tpu.memory_space<semaphore_mem>> -> memref<!tpu.dma_semaphore, #tpu.memory_space<semaphore_mem>>
    %dma_start3A_172 = arith.constant 0 : i32
    %dma_start3A_173 = tpu.memref_slice %arg13[%add3A_161, %dma_start3A_172] : memref<10000x128xf32, #tpu.memory_space<vmem_shared>> -> memref<64x128xf32, #tpu.memory_space<vmem_shared>>
    %dma_start3A_174 = arith.constant 0 : i32
    %dma_start3A_175 = arith.constant 0 : i32
    %dma_start3A_176 = tpu.memref_slice %arg6[%dma_start3A_162, %dma_start3A_174, %dma_start3A_175] : memref<4x64x128xf32, #tpu.memory_space<vmem>> -> memref<1x64x128xf32, #tpu.memory_space<vmem>>
    %dma_start3A_177 = tpu.memref_squeeze %dma_start3A_176 : memref<1x64x128xf32, #tpu.memory_space<vmem>> -> memref<64x128xf32, #tpu.memory_space<vmem>>
    tpu.enqueue_dma source(%dma_start3A_177 : memref<64x128xf32, #tpu.memory_space<vmem>>) target(%dma_start3A_173 : memref<64x128xf32, #tpu.memory_space<vmem_shared>>) target_semaphore(%dma_start3A_171 : memref<!tpu.dma_semaphore, #tpu.memory_space<semaphore_mem>>)
    %mul3A_178 = arith.constant 624 : i32
    %mul3A_179 = arith.muli %arg1, %mul3A_178 : i32
    %add3A_180 = arith.constant 256 : i32
    %add3A_181 = arith.addi %mul3A_179, %add3A_180 : i32
    %dma_start3A_182 = arith.constant 3 : i32
    %dma_start3A_183 = arith.constant 3 : i32
    %dma_start3A_184 = arith.constant 0 : i32
    %dma_start3A_185 = arith.constant 0 : i32
    %dma_start3A_186 = tpu.memref_slice %arg6[%dma_start3A_182, %dma_start3A_184, %dma_start3A_185] : memref<4x64x128xf32, #tpu.memory_space<vmem>> -> memref<1x64x128xf32, #tpu.memory_space<vmem>>
    %dma_start3A_187 = tpu.memref_squeeze %dma_start3A_186 : memref<1x64x128xf32, #tpu.memory_space<vmem>> -> memref<64x128xf32, #tpu.memory_space<vmem>>
    %dma_start3A_188 = arith.constant 0 : i32
    %dma_start3A_189 = tpu.memref_slice %arg13[%add3A_181, %dma_start3A_188] : memref<10000x128xf32, #tpu.memory_space<vmem_shared>> -> memref<64x128xf32, #tpu.memory_space<vmem_shared>>
    %dma_start3A_190 = tpu.memref_slice %arg12[%dma_start3A_183] : memref<4x!tpu.dma_semaphore, #tpu.memory_space<semaphore_mem>> -> memref<1x!tpu.dma_semaphore, #tpu.memory_space<semaphore_mem>>
    %dma_start3A_191 = tpu.memref_squeeze %dma_start3A_190 : memref<1x!tpu.dma_semaphore, #tpu.memory_space<semaphore_mem>> -> memref<!tpu.dma_semaphore, #tpu.memory_space<semaphore_mem>>
    %dma_start3A_192 = arith.constant 0 : i32
    %dma_start3A_193 = tpu.memref_slice %arg13[%add3A_181, %dma_start3A_192] : memref<10000x128xf32, #tpu.memory_space<vmem_shared>> -> memref<64x128xf32, #tpu.memory_space<vmem_shared>>
    %dma_start3A_194 = arith.constant 0 : i32
    %dma_start3A_195 = arith.constant 0 : i32
    %dma_start3A_196 = tpu.memref_slice %arg6[%dma_start3A_182, %dma_start3A_194, %dma_start3A_195] : memref<4x64x128xf32, #tpu.memory_space<vmem>> -> memref<1x64x128xf32, #tpu.memory_space<vmem>>
    %dma_start3A_197 = tpu.memref_squeeze %dma_start3A_196 : memref<1x64x128xf32, #tpu.memory_space<vmem>> -> memref<64x128xf32, #tpu.memory_space<vmem>>
    tpu.enqueue_dma source(%dma_start3A_197 : memref<64x128xf32, #tpu.memory_space<vmem>>) target(%dma_start3A_193 : memref<64x128xf32, #tpu.memory_space<vmem_shared>>) target_semaphore(%dma_start3A_191 : memref<!tpu.dma_semaphore, #tpu.memory_space<semaphore_mem>>)
    %mul3A_198 = arith.constant 624 : i32
    %mul3A_199 = arith.muli %arg1, %mul3A_198 : i32
    %add3A_200 = arith.constant 320 : i32
    %add3A_201 = arith.addi %mul3A_199, %add3A_200 : i32
    %dma_start3A_202 = arith.constant 3 : i32
    %dma_start3A_203 = arith.constant 3 : i32
    %dma_start3A_204 = arith.constant 0 : i32
    %dma_start3A_205 = arith.constant 0 : i32
    %dma_start3A_206 = tpu.memref_slice %arg6[%dma_start3A_202, %dma_start3A_204, %dma_start3A_205] : memref<4x64x128xf32, #tpu.memory_space<vmem>> -> memref<1x64x128xf32, #tpu.memory_space<vmem>>
    %dma_start3A_207 = tpu.memref_squeeze %dma_start3A_206 : memref<1x64x128xf32, #tpu.memory_space<vmem>> -> memref<64x128xf32, #tpu.memory_space<vmem>>
    %dma_start3A_208 = arith.constant 0 : i32
    %dma_start3A_209 = tpu.memref_slice %arg13[%add3A_201, %dma_start3A_208] : memref<10000x128xf32, #tpu.memory_space<vmem_shared>> -> memref<64x128xf32, #tpu.memory_space<vmem_shared>>
    %dma_start3A_210 = tpu.memref_slice %arg12[%dma_start3A_203] : memref<4x!tpu.dma_semaphore, #tpu.memory_space<semaphore_mem>> -> memref<1x!tpu.dma_semaphore, #tpu.memory_space<semaphore_mem>>
    %dma_start3A_211 = tpu.memref_squeeze %dma_start3A_210 : memref<1x!tpu.dma_semaphore, #tpu.memory_space<semaphore_mem>> -> memref<!tpu.dma_semaphore, #tpu.memory_space<semaphore_mem>>
    %dma_start3A_212 = arith.constant 0 : i32
    %dma_start3A_213 = tpu.memref_slice %arg13[%add3A_201, %dma_start3A_212] : memref<10000x128xf32, #tpu.memory_space<vmem_shared>> -> memref<64x128xf32, #tpu.memory_space<vmem_shared>>
    %dma_start3A_214 = arith.constant 0 : i32
    %dma_start3A_215 = arith.constant 0 : i32
    %dma_start3A_216 = tpu.memref_slice %arg6[%dma_start3A_202, %dma_start3A_214, %dma_start3A_215] : memref<4x64x128xf32, #tpu.memory_space<vmem>> -> memref<1x64x128xf32, #tpu.memory_space<vmem>>
    %dma_start3A_217 = tpu.memref_squeeze %dma_start3A_216 : memref<1x64x128xf32, #tpu.memory_space<vmem>> -> memref<64x128xf32, #tpu.memory_space<vmem>>
    tpu.enqueue_dma source(%dma_start3A_217 : memref<64x128xf32, #tpu.memory_space<vmem>>) target(%dma_start3A_213 : memref<64x128xf32, #tpu.memory_space<vmem_shared>>) target_semaphore(%dma_start3A_211 : memref<!tpu.dma_semaphore, #tpu.memory_space<semaphore_mem>>)
    %mul3A_218 = arith.constant 624 : i32
    %mul3A_219 = arith.muli %arg1, %mul3A_218 : i32
    %add3A_220 = arith.constant 384 : i32
    %add3A_221 = arith.addi %mul3A_219, %add3A_220 : i32
    %dma_start3A_222 = arith.constant 3 : i32
    %dma_start3A_223 = arith.constant 3 : i32
    %dma_start3A_224 = arith.constant 0 : i32
    %dma_start3A_225 = arith.constant 0 : i32
    %dma_start3A_226 = tpu.memref_slice %arg6[%dma_start3A_222, %dma_start3A_224, %dma_start3A_225] : memref<4x64x128xf32, #tpu.memory_space<vmem>> -> memref<1x64x128xf32, #tpu.memory_space<vmem>>
    %dma_start3A_227 = tpu.memref_squeeze %dma_start3A_226 : memref<1x64x128xf32, #tpu.memory_space<vmem>> -> memref<64x128xf32, #tpu.memory_space<vmem>>
    %dma_start3A_228 = arith.constant 0 : i32
    %dma_start3A_229 = tpu.memref_slice %arg13[%add3A_221, %dma_start3A_228] : memref<10000x128xf32, #tpu.memory_space<vmem_shared>> -> memref<64x128xf32, #tpu.memory_space<vmem_shared>>
    %dma_start3A_230 = tpu.memref_slice %arg12[%dma_start3A_223] : memref<4x!tpu.dma_semaphore, #tpu.memory_space<semaphore_mem>> -> memref<1x!tpu.dma_semaphore, #tpu.memory_space<semaphore_mem>>
    %dma_start3A_231 = tpu.memref_squeeze %dma_start3A_230 : memref<1x!tpu.dma_semaphore, #tpu.memory_space<semaphore_mem>> -> memref<!tpu.dma_semaphore, #tpu.memory_space<semaphore_mem>>
    %dma_start3A_232 = arith.constant 0 : i32
    %dma_start3A_233 = tpu.memref_slice %arg13[%add3A_221, %dma_start3A_232] : memref<10000x128xf32, #tpu.memory_space<vmem_shared>> -> memref<64x128xf32, #tpu.memory_space<vmem_shared>>
    %dma_start3A_234 = arith.constant 0 : i32
    %dma_start3A_235 = arith.constant 0 : i32
    %dma_start3A_236 = tpu.memref_slice %arg6[%dma_start3A_222, %dma_start3A_234, %dma_start3A_235] : memref<4x64x128xf32, #tpu.memory_space<vmem>> -> memref<1x64x128xf32, #tpu.memory_space<vmem>>
    %dma_start3A_237 = tpu.memref_squeeze %dma_start3A_236 : memref<1x64x128xf32, #tpu.memory_space<vmem>> -> memref<64x128xf32, #tpu.memory_space<vmem>>
    tpu.enqueue_dma source(%dma_start3A_237 : memref<64x128xf32, #tpu.memory_space<vmem>>) target(%dma_start3A_233 : memref<64x128xf32, #tpu.memory_space<vmem_shared>>) target_semaphore(%dma_start3A_231 : memref<!tpu.dma_semaphore, #tpu.memory_space<semaphore_mem>>)
    %mul3A_238 = arith.constant 624 : i32
    %mul3A_239 = arith.muli %arg1, %mul3A_238 : i32
    %add3A_240 = arith.constant 448 : i32
    %add3A_241 = arith.addi %mul3A_239, %add3A_240 : i32
    %dma_start3A_242 = arith.constant 3 : i32
    %dma_start3A_243 = arith.constant 3 : i32
    %dma_start3A_244 = arith.constant 0 : i32
    %dma_start3A_245 = arith.constant 0 : i32
    %dma_start3A_246 = tpu.memref_slice %arg6[%dma_start3A_242, %dma_start3A_244, %dma_start3A_245] : memref<4x64x128xf32, #tpu.memory_space<vmem>> -> memref<1x64x128xf32, #tpu.memory_space<vmem>>
    %dma_start3A_247 = tpu.memref_squeeze %dma_start3A_246 : memref<1x64x128xf32, #tpu.memory_space<vmem>> -> memref<64x128xf32, #tpu.memory_space<vmem>>
    %dma_start3A_248 = arith.constant 0 : i32
    %dma_start3A_249 = tpu.memref_slice %arg13[%add3A_241, %dma_start3A_248] : memref<10000x128xf32, #tpu.memory_space<vmem_shared>> -> memref<64x128xf32, #tpu.memory_space<vmem_shared>>
    %dma_start3A_250 = tpu.memref_slice %arg12[%dma_start3A_243] : memref<4x!tpu.dma_semaphore, #tpu.memory_space<semaphore_mem>> -> memref<1x!tpu.dma_semaphore, #tpu.memory_space<semaphore_mem>>
    %dma_start3A_251 = tpu.memref_squeeze %dma_start3A_250 : memref<1x!tpu.dma_semaphore, #tpu.memory_space<semaphore_mem>> -> memref<!tpu.dma_semaphore, #tpu.memory_space<semaphore_mem>>
    %dma_start3A_252 = arith.constant 0 : i32
    %dma_start3A_253 = tpu.memref_slice %arg13[%add3A_241, %dma_start3A_252] : memref<10000x128xf32, #tpu.memory_space<vmem_shared>> -> memref<64x128xf32, #tpu.memory_space<vmem_shared>>
    %dma_start3A_254 = arith.constant 0 : i32
    %dma_start3A_255 = arith.constant 0 : i32
    %dma_start3A_256 = tpu.memref_slice %arg6[%dma_start3A_242, %dma_start3A_254, %dma_start3A_255] : memref<4x64x128xf32, #tpu.memory_space<vmem>> -> memref<1x64x128xf32, #tpu.memory_space<vmem>>
    %dma_start3A_257 = tpu.memref_squeeze %dma_start3A_256 : memref<1x64x128xf32, #tpu.memory_space<vmem>> -> memref<64x128xf32, #tpu.memory_space<vmem>>
    tpu.enqueue_dma source(%dma_start3A_257 : memref<64x128xf32, #tpu.memory_space<vmem>>) target(%dma_start3A_253 : memref<64x128xf32, #tpu.memory_space<vmem_shared>>) target_semaphore(%dma_start3A_251 : memref<!tpu.dma_semaphore, #tpu.memory_space<semaphore_mem>>)
    %mul3A_258 = arith.constant 624 : i32
    %mul3A_259 = arith.muli %arg1, %mul3A_258 : i32
    %add3A_260 = arith.constant 512 : i32
    %add3A_261 = arith.addi %mul3A_259, %add3A_260 : i32
    %dma_start3A_262 = arith.constant 3 : i32
    %dma_start3A_263 = arith.constant 3 : i32
    %dma_start3A_264 = arith.constant 0 : i32
    %dma_start3A_265 = arith.constant 0 : i32
    %dma_start3A_266 = tpu.memref_slice %arg6[%dma_start3A_262, %dma_start3A_264, %dma_start3A_265] : memref<4x64x128xf32, #tpu.memory_space<vmem>> -> memref<1x64x128xf32, #tpu.memory_space<vmem>>
    %dma_start3A_267 = tpu.memref_squeeze %dma_start3A_266 : memref<1x64x128xf32, #tpu.memory_space<vmem>> -> memref<64x128xf32, #tpu.memory_space<vmem>>
    %dma_start3A_268 = arith.constant 0 : i32
    %dma_start3A_269 = tpu.memref_slice %arg13[%add3A_261, %dma_start3A_268] : memref<10000x128xf32, #tpu.memory_space<vmem_shared>> -> memref<64x128xf32, #tpu.memory_space<vmem_shared>>
    %dma_start3A_270 = tpu.memref_slice %arg12[%dma_start3A_263] : memref<4x!tpu.dma_semaphore, #tpu.memory_space<semaphore_mem>> -> memref<1x!tpu.dma_semaphore, #tpu.memory_space<semaphore_mem>>
    %dma_start3A_271 = tpu.memref_squeeze %dma_start3A_270 : memref<1x!tpu.dma_semaphore, #tpu.memory_space<semaphore_mem>> -> memref<!tpu.dma_semaphore, #tpu.memory_space<semaphore_mem>>
    %dma_start3A_272 = arith.constant 0 : i32
    %dma_start3A_273 = tpu.memref_slice %arg13[%add3A_261, %dma_start3A_272] : memref<10000x128xf32, #tpu.memory_space<vmem_shared>> -> memref<64x128xf32, #tpu.memory_space<vmem_shared>>
    %dma_start3A_274 = arith.constant 0 : i32
    %dma_start3A_275 = arith.constant 0 : i32
    %dma_start3A_276 = tpu.memref_slice %arg6[%dma_start3A_262, %dma_start3A_274, %dma_start3A_275] : memref<4x64x128xf32, #tpu.memory_space<vmem>> -> memref<1x64x128xf32, #tpu.memory_space<vmem>>
    %dma_start3A_277 = tpu.memref_squeeze %dma_start3A_276 : memref<1x64x128xf32, #tpu.memory_space<vmem>> -> memref<64x128xf32, #tpu.memory_space<vmem>>
    tpu.enqueue_dma source(%dma_start3A_277 : memref<64x128xf32, #tpu.memory_space<vmem>>) target(%dma_start3A_273 : memref<64x128xf32, #tpu.memory_space<vmem_shared>>) target_semaphore(%dma_start3A_271 : memref<!tpu.dma_semaphore, #tpu.memory_space<semaphore_mem>>)
    %mul3A_278 = arith.constant 624 : i32
    %mul3A_279 = arith.muli %arg1, %mul3A_278 : i32
    %add3A_280 = arith.constant 576 : i32
    %add3A_281 = arith.addi %mul3A_279, %add3A_280 : i32
    %dma_start3A_282 = arith.constant 3 : i32
    %dma_start3A_283 = arith.constant 3 : i32
    %dma_start3A_284 = arith.constant 0 : i32
    %dma_start3A_285 = arith.constant 0 : i32
    %dma_start3A_286 = tpu.memref_slice %arg6[%dma_start3A_282, %dma_start3A_284, %dma_start3A_285] : memref<4x64x128xf32, #tpu.memory_space<vmem>> -> memref<1x48x128xf32, #tpu.memory_space<vmem>>
    %dma_start3A_287 = tpu.memref_squeeze %dma_start3A_286 : memref<1x48x128xf32, #tpu.memory_space<vmem>> -> memref<48x128xf32, #tpu.memory_space<vmem>>
    %dma_start3A_288 = arith.constant 0 : i32
    %dma_start3A_289 = tpu.memref_slice %arg13[%add3A_281, %dma_start3A_288] : memref<10000x128xf32, #tpu.memory_space<vmem_shared>> -> memref<48x128xf32, #tpu.memory_space<vmem_shared>>
    %dma_start3A_290 = tpu.memref_slice %arg12[%dma_start3A_283] : memref<4x!tpu.dma_semaphore, #tpu.memory_space<semaphore_mem>> -> memref<1x!tpu.dma_semaphore, #tpu.memory_space<semaphore_mem>>
    %dma_start3A_291 = tpu.memref_squeeze %dma_start3A_290 : memref<1x!tpu.dma_semaphore, #tpu.memory_space<semaphore_mem>> -> memref<!tpu.dma_semaphore, #tpu.memory_space<semaphore_mem>>
    %dma_start3A_292 = arith.constant 0 : i32
    %dma_start3A_293 = tpu.memref_slice %arg13[%add3A_281, %dma_start3A_292] : memref<10000x128xf32, #tpu.memory_space<vmem_shared>> -> memref<48x128xf32, #tpu.memory_space<vmem_shared>>
    %dma_start3A_294 = arith.constant 0 : i32
    %dma_start3A_295 = arith.constant 0 : i32
    %dma_start3A_296 = tpu.memref_slice %arg6[%dma_start3A_282, %dma_start3A_294, %dma_start3A_295] : memref<4x64x128xf32, #tpu.memory_space<vmem>> -> memref<1x48x128xf32, #tpu.memory_space<vmem>>
    %dma_start3A_297 = tpu.memref_squeeze %dma_start3A_296 : memref<1x48x128xf32, #tpu.memory_space<vmem>> -> memref<48x128xf32, #tpu.memory_space<vmem>>
    tpu.enqueue_dma source(%dma_start3A_297 : memref<48x128xf32, #tpu.memory_space<vmem>>) target(%dma_start3A_293 : memref<48x128xf32, #tpu.memory_space<vmem_shared>>) target_semaphore(%dma_start3A_291 : memref<!tpu.dma_semaphore, #tpu.memory_space<semaphore_mem>>)
    %eq3A = arith.constant 15 : i32
    %eq3A_298 = arith.cmpi eq, %arg1, %eq3A : i32
    %convert_element_type3A = arith.extui %eq3A_298 : i1 to i32
    %cond3A = arith.constant 0 : i32
    %cond3A_299 = arith.cmpi ne, %convert_element_type3A, %cond3A : i32
    scf.if %cond3A_299 {
      %run_scoped3A_534 = arith.constant 3 : i32
      "tpu.region"() ({
        %run_scoped3A_535 = tpu.sem_alloc : memref<!tpu.dma_semaphore, #tpu.memory_space<semaphore_mem>>
        %dma_start3A_536 = arith.constant 0 : i32
        %dma_start3A_537 = arith.constant 0 : i32
        %dma_start3A_538 = tpu.memref_slice %arg6[%run_scoped3A_534, %dma_start3A_536, %dma_start3A_537] : memref<4x64x128xf32, #tpu.memory_space<vmem>> -> memref<1x16x128xf32, #tpu.memory_space<vmem>>
        %dma_start3A_539 = tpu.memref_squeeze %dma_start3A_538 : memref<1x16x128xf32, #tpu.memory_space<vmem>> -> memref<16x128xf32, #tpu.memory_space<vmem>>
        %dma_start3A_540 = arith.constant 9984 : i32
        %dma_start3A_541 = arith.constant 0 : i32
        %dma_start3A_542 = tpu.memref_slice %arg13[%dma_start3A_540, %dma_start3A_541] : memref<10000x128xf32, #tpu.memory_space<vmem_shared>> -> memref<16x128xf32, #tpu.memory_space<vmem_shared>>
        %dma_start3A_543 = arith.constant 9984 : i32
        %dma_start3A_544 = arith.constant 0 : i32
        %dma_start3A_545 = tpu.memref_slice %arg13[%dma_start3A_543, %dma_start3A_544] : memref<10000x128xf32, #tpu.memory_space<vmem_shared>> -> memref<16x128xf32, #tpu.memory_space<vmem_shared>>
        %dma_start3A_546 = arith.constant 0 : i32
        %dma_start3A_547 = arith.constant 0 : i32
        %dma_start3A_548 = tpu.memref_slice %arg6[%run_scoped3A_534, %dma_start3A_546, %dma_start3A_547] : memref<4x64x128xf32, #tpu.memory_space<vmem>> -> memref<1x16x128xf32, #tpu.memory_space<vmem>>
        %dma_start3A_549 = tpu.memref_squeeze %dma_start3A_548 : memref<1x16x128xf32, #tpu.memory_space<vmem>> -> memref<16x128xf32, #tpu.memory_space<vmem>>
        tpu.enqueue_dma source(%dma_start3A_549 : memref<16x128xf32, #tpu.memory_space<vmem>>) target(%dma_start3A_545 : memref<16x128xf32, #tpu.memory_space<vmem_shared>>) target_semaphore(%run_scoped3A_535 : memref<!tpu.dma_semaphore, #tpu.memory_space<semaphore_mem>>)
        %dma_wait3A_550 = arith.constant 0 : i32
        %dma_wait3A_551 = arith.constant 0 : i32
        %dma_wait3A_552 = tpu.memref_slice %arg6[%run_scoped3A_534, %dma_wait3A_550, %dma_wait3A_551] : memref<4x64x128xf32, #tpu.memory_space<vmem>> -> memref<1x16x128xf32, #tpu.memory_space<vmem>>
        %dma_wait3A_553 = tpu.memref_squeeze %dma_wait3A_552 : memref<1x16x128xf32, #tpu.memory_space<vmem>> -> memref<16x128xf32, #tpu.memory_space<vmem>>
        %dma_wait3A_554 = arith.constant 9984 : i32
        %dma_wait3A_555 = arith.constant 0 : i32
        %dma_wait3A_556 = tpu.memref_slice %arg13[%dma_wait3A_554, %dma_wait3A_555] : memref<10000x128xf32, #tpu.memory_space<vmem_shared>> -> memref<16x128xf32, #tpu.memory_space<vmem_shared>>
        %dma_wait3A_557 = arith.constant 9984 : i32
        %dma_wait3A_558 = arith.constant 0 : i32
        %dma_wait3A_559 = tpu.memref_slice %arg13[%dma_wait3A_557, %dma_wait3A_558] : memref<10000x128xf32, #tpu.memory_space<vmem_shared>> -> memref<16x128xf32, #tpu.memory_space<vmem_shared>>
        %dma_wait3A_560 = arith.constant 0 : i32
        %dma_wait3A_561 = arith.constant 0 : i32
        %dma_wait3A_562 = tpu.memref_slice %arg6[%run_scoped3A_534, %dma_wait3A_560, %dma_wait3A_561] : memref<4x64x128xf32, #tpu.memory_space<vmem>> -> memref<1x16x128xf32, #tpu.memory_space<vmem>>
        %dma_wait3A_563 = tpu.memref_squeeze %dma_wait3A_562 : memref<1x16x128xf32, #tpu.memory_space<vmem>> -> memref<16x128xf32, #tpu.memory_space<vmem>>
        tpu.wait_dma2 semaphore(%run_scoped3A_535 : memref<!tpu.dma_semaphore, #tpu.memory_space<semaphore_mem>>) src(%dma_wait3A_563 : memref<16x128xf32, #tpu.memory_space<vmem>>) dst(%dma_wait3A_559 : memref<16x128xf32, #tpu.memory_space<vmem_shared>>)
        tpu.yield
      }) : () -> ()
    } else {
    }
    %scan3A_300 = arith.constant 0 : i32
    %scan3A_301 = arith.constant 0 : i32
    %scan3A_302 = arith.constant 625 : i32
    %scan3A_303 = arith.addi %scan3A_301, %scan3A_302 : i32
    %scan3A_304 = arith.constant 1 : i32
    scf.for %scan3A_534 = %scan3A_301 to %scan3A_303 step %scan3A_304  : i32 {
      %mul3A_535 = arith.constant 16 : i32
      %mul3A_536 = arith.muli %scan3A_534, %mul3A_535 : i32
      %swap3A = arith.index_cast %mul3A_536 : i32 to index
      %swap3A_537 = tpu.vector_load %arg9[%swap3A] {strides = array<i32>} : memref<10000xf32, #tpu.memory_space<vmem>>, vector<16xf32>,
      tpu.vector_store %arg9[%swap3A], %broadcast_in_dim3A_3 {strides = array<i32>} : memref<10000xf32, #tpu.memory_space<vmem>>, vector<16xf32>,
    }
    %scan3A_305 = arith.constant 625 : i32
    %dma_wait3A = arith.constant 3 : i32
    %dma_wait3A_306 = arith.constant 3 : i32
    %dma_wait3A_307 = arith.constant 0 : i32
    %dma_wait3A_308 = arith.constant 0 : i32
    %dma_wait3A_309 = tpu.memref_slice %arg6[%dma_wait3A, %dma_wait3A_307, %dma_wait3A_308] : memref<4x64x128xf32, #tpu.memory_space<vmem>> -> memref<1x64x128xf32, #tpu.memory_space<vmem>>
    %dma_wait3A_310 = tpu.memref_squeeze %dma_wait3A_309 : memref<1x64x128xf32, #tpu.memory_space<vmem>> -> memref<64x128xf32, #tpu.memory_space<vmem>>
    %dma_wait3A_311 = arith.constant 0 : i32
    %dma_wait3A_312 = tpu.memref_slice %arg13[%add3A_101, %dma_wait3A_311] : memref<10000x128xf32, #tpu.memory_space<vmem_shared>> -> memref<64x128xf32, #tpu.memory_space<vmem_shared>>
    %dma_wait3A_313 = tpu.memref_slice %arg12[%dma_wait3A_306] : memref<4x!tpu.dma_semaphore, #tpu.memory_space<semaphore_mem>> -> memref<1x!tpu.dma_semaphore, #tpu.memory_space<semaphore_mem>>
    %dma_wait3A_314 = tpu.memref_squeeze %dma_wait3A_313 : memref<1x!tpu.dma_semaphore, #tpu.memory_space<semaphore_mem>> -> memref<!tpu.dma_semaphore, #tpu.memory_space<semaphore_mem>>
    %dma_wait3A_315 = arith.constant 0 : i32
    %dma_wait3A_316 = tpu.memref_slice %arg13[%add3A_101, %dma_wait3A_315] : memref<10000x128xf32, #tpu.memory_space<vmem_shared>> -> memref<64x128xf32, #tpu.memory_space<vmem_shared>>
    %dma_wait3A_317 = arith.constant 0 : i32
    %dma_wait3A_318 = arith.constant 0 : i32
    %dma_wait3A_319 = tpu.memref_slice %arg6[%dma_wait3A, %dma_wait3A_317, %dma_wait3A_318] : memref<4x64x128xf32, #tpu.memory_space<vmem>> -> memref<1x64x128xf32, #tpu.memory_space<vmem>>
    %dma_wait3A_320 = tpu.memref_squeeze %dma_wait3A_319 : memref<1x64x128xf32, #tpu.memory_space<vmem>> -> memref<64x128xf32, #tpu.memory_space<vmem>>
    tpu.wait_dma2 semaphore(%dma_wait3A_314 : memref<!tpu.dma_semaphore, #tpu.memory_space<semaphore_mem>>) src(%dma_wait3A_320 : memref<64x128xf32, #tpu.memory_space<vmem>>) dst(%dma_wait3A_316 : memref<64x128xf32, #tpu.memory_space<vmem_shared>>)
    %dma_wait3A_321 = arith.constant 3 : i32
    %dma_wait3A_322 = arith.constant 3 : i32
    %dma_wait3A_323 = arith.constant 0 : i32
    %dma_wait3A_324 = arith.constant 0 : i32
    %dma_wait3A_325 = tpu.memref_slice %arg6[%dma_wait3A_321, %dma_wait3A_323, %dma_wait3A_324] : memref<4x64x128xf32, #tpu.memory_space<vmem>> -> memref<1x64x128xf32, #tpu.memory_space<vmem>>
    %dma_wait3A_326 = tpu.memref_squeeze %dma_wait3A_325 : memref<1x64x128xf32, #tpu.memory_space<vmem>> -> memref<64x128xf32, #tpu.memory_space<vmem>>
    %dma_wait3A_327 = arith.constant 0 : i32
    %dma_wait3A_328 = tpu.memref_slice %arg13[%add3A_121, %dma_wait3A_327] : memref<10000x128xf32, #tpu.memory_space<vmem_shared>> -> memref<64x128xf32, #tpu.memory_space<vmem_shared>>
    %dma_wait3A_329 = tpu.memref_slice %arg12[%dma_wait3A_322] : memref<4x!tpu.dma_semaphore, #tpu.memory_space<semaphore_mem>> -> memref<1x!tpu.dma_semaphore, #tpu.memory_space<semaphore_mem>>
    %dma_wait3A_330 = tpu.memref_squeeze %dma_wait3A_329 : memref<1x!tpu.dma_semaphore, #tpu.memory_space<semaphore_mem>> -> memref<!tpu.dma_semaphore, #tpu.memory_space<semaphore_mem>>
    %dma_wait3A_331 = arith.constant 0 : i32
    %dma_wait3A_332 = tpu.memref_slice %arg13[%add3A_121, %dma_wait3A_331] : memref<10000x128xf32, #tpu.memory_space<vmem_shared>> -> memref<64x128xf32, #tpu.memory_space<vmem_shared>>
    %dma_wait3A_333 = arith.constant 0 : i32
    %dma_wait3A_334 = arith.constant 0 : i32
    %dma_wait3A_335 = tpu.memref_slice %arg6[%dma_wait3A_321, %dma_wait3A_333, %dma_wait3A_334] : memref<4x64x128xf32, #tpu.memory_space<vmem>> -> memref<1x64x128xf32, #tpu.memory_space<vmem>>
    %dma_wait3A_336 = tpu.memref_squeeze %dma_wait3A_335 : memref<1x64x128xf32, #tpu.memory_space<vmem>> -> memref<64x128xf32, #tpu.memory_space<vmem>>
    tpu.wait_dma2 semaphore(%dma_wait3A_330 : memref<!tpu.dma_semaphore, #tpu.memory_space<semaphore_mem>>) src(%dma_wait3A_336 : memref<64x128xf32, #tpu.memory_space<vmem>>) dst(%dma_wait3A_332 : memref<64x128xf32, #tpu.memory_space<vmem_shared>>)
    %dma_wait3A_337 = arith.constant 3 : i32
    %dma_wait3A_338 = arith.constant 3 : i32
    %dma_wait3A_339 = arith.constant 0 : i32
    %dma_wait3A_340 = arith.constant 0 : i32
    %dma_wait3A_341 = tpu.memref_slice %arg6[%dma_wait3A_337, %dma_wait3A_339, %dma_wait3A_340] : memref<4x64x128xf32, #tpu.memory_space<vmem>> -> memref<1x64x128xf32, #tpu.memory_space<vmem>>
    %dma_wait3A_342 = tpu.memref_squeeze %dma_wait3A_341 : memref<1x64x128xf32, #tpu.memory_space<vmem>> -> memref<64x128xf32, #tpu.memory_space<vmem>>
    %dma_wait3A_343 = arith.constant 0 : i32
    %dma_wait3A_344 = tpu.memref_slice %arg13[%add3A_141, %dma_wait3A_343] : memref<10000x128xf32, #tpu.memory_space<vmem_shared>> -> memref<64x128xf32, #tpu.memory_space<vmem_shared>>
    %dma_wait3A_345 = tpu.memref_slice %arg12[%dma_wait3A_338] : memref<4x!tpu.dma_semaphore, #tpu.memory_space<semaphore_mem>> -> memref<1x!tpu.dma_semaphore, #tpu.memory_space<semaphore_mem>>
    %dma_wait3A_346 = tpu.memref_squeeze %dma_wait3A_345 : memref<1x!tpu.dma_semaphore, #tpu.memory_space<semaphore_mem>> -> memref<!tpu.dma_semaphore, #tpu.memory_space<semaphore_mem>>
    %dma_wait3A_347 = arith.constant 0 : i32
    %dma_wait3A_348 = tpu.memref_slice %arg13[%add3A_141, %dma_wait3A_347] : memref<10000x128xf32, #tpu.memory_space<vmem_shared>> -> memref<64x128xf32, #tpu.memory_space<vmem_shared>>
    %dma_wait3A_349 = arith.constant 0 : i32
    %dma_wait3A_350 = arith.constant 0 : i32
    %dma_wait3A_351 = tpu.memref_slice %arg6[%dma_wait3A_337, %dma_wait3A_349, %dma_wait3A_350] : memref<4x64x128xf32, #tpu.memory_space<vmem>> -> memref<1x64x128xf32, #tpu.memory_space<vmem>>
    %dma_wait3A_352 = tpu.memref_squeeze %dma_wait3A_351 : memref<1x64x128xf32, #tpu.memory_space<vmem>> -> memref<64x128xf32, #tpu.memory_space<vmem>>
    tpu.wait_dma2 semaphore(%dma_wait3A_346 : memref<!tpu.dma_semaphore, #tpu.memory_space<semaphore_mem>>) src(%dma_wait3A_352 : memref<64x128xf32, #tpu.memory_space<vmem>>) dst(%dma_wait3A_348 : memref<64x128xf32, #tpu.memory_space<vmem_shared>>)
    %dma_wait3A_353 = arith.constant 3 : i32
    %dma_wait3A_354 = arith.constant 3 : i32
    %dma_wait3A_355 = arith.constant 0 : i32
    %dma_wait3A_356 = arith.constant 0 : i32
    %dma_wait3A_357 = tpu.memref_slice %arg6[%dma_wait3A_353, %dma_wait3A_355, %dma_wait3A_356] : memref<4x64x128xf32, #tpu.memory_space<vmem>> -> memref<1x64x128xf32, #tpu.memory_space<vmem>>
    %dma_wait3A_358 = tpu.memref_squeeze %dma_wait3A_357 : memref<1x64x128xf32, #tpu.memory_space<vmem>> -> memref<64x128xf32, #tpu.memory_space<vmem>>
    %dma_wait3A_359 = arith.constant 0 : i32
    %dma_wait3A_360 = tpu.memref_slice %arg13[%add3A_161, %dma_wait3A_359] : memref<10000x128xf32, #tpu.memory_space<vmem_shared>> -> memref<64x128xf32, #tpu.memory_space<vmem_shared>>
    %dma_wait3A_361 = tpu.memref_slice %arg12[%dma_wait3A_354] : memref<4x!tpu.dma_semaphore, #tpu.memory_space<semaphore_mem>> -> memref<1x!tpu.dma_semaphore, #tpu.memory_space<semaphore_mem>>
    %dma_wait3A_362 = tpu.memref_squeeze %dma_wait3A_361 : memref<1x!tpu.dma_semaphore, #tpu.memory_space<semaphore_mem>> -> memref<!tpu.dma_semaphore, #tpu.memory_space<semaphore_mem>>
    %dma_wait3A_363 = arith.constant 0 : i32
    %dma_wait3A_364 = tpu.memref_slice %arg13[%add3A_161, %dma_wait3A_363] : memref<10000x128xf32, #tpu.memory_space<vmem_shared>> -> memref<64x128xf32, #tpu.memory_space<vmem_shared>>
    %dma_wait3A_365 = arith.constant 0 : i32
    %dma_wait3A_366 = arith.constant 0 : i32
    %dma_wait3A_367 = tpu.memref_slice %arg6[%dma_wait3A_353, %dma_wait3A_365, %dma_wait3A_366] : memref<4x64x128xf32, #tpu.memory_space<vmem>> -> memref<1x64x128xf32, #tpu.memory_space<vmem>>
    %dma_wait3A_368 = tpu.memref_squeeze %dma_wait3A_367 : memref<1x64x128xf32, #tpu.memory_space<vmem>> -> memref<64x128xf32, #tpu.memory_space<vmem>>
    tpu.wait_dma2 semaphore(%dma_wait3A_362 : memref<!tpu.dma_semaphore, #tpu.memory_space<semaphore_mem>>) src(%dma_wait3A_368 : memref<64x128xf32, #tpu.memory_space<vmem>>) dst(%dma_wait3A_364 : memref<64x128xf32, #tpu.memory_space<vmem_shared>>)
    %dma_wait3A_369 = arith.constant 3 : i32
    %dma_wait3A_370 = arith.constant 3 : i32
    %dma_wait3A_371 = arith.constant 0 : i32
    %dma_wait3A_372 = arith.constant 0 : i32
    %dma_wait3A_373 = tpu.memref_slice %arg6[%dma_wait3A_369, %dma_wait3A_371, %dma_wait3A_372] : memref<4x64x128xf32, #tpu.memory_space<vmem>> -> memref<1x64x128xf32, #tpu.memory_space<vmem>>
    %dma_wait3A_374 = tpu.memref_squeeze %dma_wait3A_373 : memref<1x64x128xf32, #tpu.memory_space<vmem>> -> memref<64x128xf32, #tpu.memory_space<vmem>>
    %dma_wait3A_375 = arith.constant 0 : i32
    %dma_wait3A_376 = tpu.memref_slice %arg13[%add3A_181, %dma_wait3A_375] : memref<10000x128xf32, #tpu.memory_space<vmem_shared>> -> memref<64x128xf32, #tpu.memory_space<vmem_shared>>
    %dma_wait3A_377 = tpu.memref_slice %arg12[%dma_wait3A_370] : memref<4x!tpu.dma_semaphore, #tpu.memory_space<semaphore_mem>> -> memref<1x!tpu.dma_semaphore, #tpu.memory_space<semaphore_mem>>
    %dma_wait3A_378 = tpu.memref_squeeze %dma_wait3A_377 : memref<1x!tpu.dma_semaphore, #tpu.memory_space<semaphore_mem>> -> memref<!tpu.dma_semaphore, #tpu.memory_space<semaphore_mem>>
    %dma_wait3A_379 = arith.constant 0 : i32
    %dma_wait3A_380 = tpu.memref_slice %arg13[%add3A_181, %dma_wait3A_379] : memref<10000x128xf32, #tpu.memory_space<vmem_shared>> -> memref<64x128xf32, #tpu.memory_space<vmem_shared>>
    %dma_wait3A_381 = arith.constant 0 : i32
    %dma_wait3A_382 = arith.constant 0 : i32
    %dma_wait3A_383 = tpu.memref_slice %arg6[%dma_wait3A_369, %dma_wait3A_381, %dma_wait3A_382] : memref<4x64x128xf32, #tpu.memory_space<vmem>> -> memref<1x64x128xf32, #tpu.memory_space<vmem>>
    %dma_wait3A_384 = tpu.memref_squeeze %dma_wait3A_383 : memref<1x64x128xf32, #tpu.memory_space<vmem>> -> memref<64x128xf32, #tpu.memory_space<vmem>>
    tpu.wait_dma2 semaphore(%dma_wait3A_378 : memref<!tpu.dma_semaphore, #tpu.memory_space<semaphore_mem>>) src(%dma_wait3A_384 : memref<64x128xf32, #tpu.memory_space<vmem>>) dst(%dma_wait3A_380 : memref<64x128xf32, #tpu.memory_space<vmem_shared>>)
    %dma_wait3A_385 = arith.constant 3 : i32
    %dma_wait3A_386 = arith.constant 3 : i32
    %dma_wait3A_387 = arith.constant 0 : i32
    %dma_wait3A_388 = arith.constant 0 : i32
    %dma_wait3A_389 = tpu.memref_slice %arg6[%dma_wait3A_385, %dma_wait3A_387, %dma_wait3A_388] : memref<4x64x128xf32, #tpu.memory_space<vmem>> -> memref<1x64x128xf32, #tpu.memory_space<vmem>>
    %dma_wait3A_390 = tpu.memref_squeeze %dma_wait3A_389 : memref<1x64x128xf32, #tpu.memory_space<vmem>> -> memref<64x128xf32, #tpu.memory_space<vmem>>
    %dma_wait3A_391 = arith.constant 0 : i32
    %dma_wait3A_392 = tpu.memref_slice %arg13[%add3A_201, %dma_wait3A_391] : memref<10000x128xf32, #tpu.memory_space<vmem_shared>> -> memref<64x128xf32, #tpu.memory_space<vmem_shared>>
    %dma_wait3A_393 = tpu.memref_slice %arg12[%dma_wait3A_386] : memref<4x!tpu.dma_semaphore, #tpu.memory_space<semaphore_mem>> -> memref<1x!tpu.dma_semaphore, #tpu.memory_space<semaphore_mem>>
    %dma_wait3A_394 = tpu.memref_squeeze %dma_wait3A_393 : memref<1x!tpu.dma_semaphore, #tpu.memory_space<semaphore_mem>> -> memref<!tpu.dma_semaphore, #tpu.memory_space<semaphore_mem>>
    %dma_wait3A_395 = arith.constant 0 : i32
    %dma_wait3A_396 = tpu.memref_slice %arg13[%add3A_201, %dma_wait3A_395] : memref<10000x128xf32, #tpu.memory_space<vmem_shared>> -> memref<64x128xf32, #tpu.memory_space<vmem_shared>>
    %dma_wait3A_397 = arith.constant 0 : i32
    %dma_wait3A_398 = arith.constant 0 : i32
    %dma_wait3A_399 = tpu.memref_slice %arg6[%dma_wait3A_385, %dma_wait3A_397, %dma_wait3A_398] : memref<4x64x128xf32, #tpu.memory_space<vmem>> -> memref<1x64x128xf32, #tpu.memory_space<vmem>>
    %dma_wait3A_400 = tpu.memref_squeeze %dma_wait3A_399 : memref<1x64x128xf32, #tpu.memory_space<vmem>> -> memref<64x128xf32, #tpu.memory_space<vmem>>
    tpu.wait_dma2 semaphore(%dma_wait3A_394 : memref<!tpu.dma_semaphore, #tpu.memory_space<semaphore_mem>>) src(%dma_wait3A_400 : memref<64x128xf32, #tpu.memory_space<vmem>>) dst(%dma_wait3A_396 : memref<64x128xf32, #tpu.memory_space<vmem_shared>>)
    %dma_wait3A_401 = arith.constant 3 : i32
    %dma_wait3A_402 = arith.constant 3 : i32
    %dma_wait3A_403 = arith.constant 0 : i32
    %dma_wait3A_404 = arith.constant 0 : i32
    %dma_wait3A_405 = tpu.memref_slice %arg6[%dma_wait3A_401, %dma_wait3A_403, %dma_wait3A_404] : memref<4x64x128xf32, #tpu.memory_space<vmem>> -> memref<1x64x128xf32, #tpu.memory_space<vmem>>
    %dma_wait3A_406 = tpu.memref_squeeze %dma_wait3A_405 : memref<1x64x128xf32, #tpu.memory_space<vmem>> -> memref<64x128xf32, #tpu.memory_space<vmem>>
    %dma_wait3A_407 = arith.constant 0 : i32
    %dma_wait3A_408 = tpu.memref_slice %arg13[%add3A_221, %dma_wait3A_407] : memref<10000x128xf32, #tpu.memory_space<vmem_shared>> -> memref<64x128xf32, #tpu.memory_space<vmem_shared>>
    %dma_wait3A_409 = tpu.memref_slice %arg12[%dma_wait3A_402] : memref<4x!tpu.dma_semaphore, #tpu.memory_space<semaphore_mem>> -> memref<1x!tpu.dma_semaphore, #tpu.memory_space<semaphore_mem>>
    %dma_wait3A_410 = tpu.memref_squeeze %dma_wait3A_409 : memref<1x!tpu.dma_semaphore, #tpu.memory_space<semaphore_mem>> -> memref<!tpu.dma_semaphore, #tpu.memory_space<semaphore_mem>>
    %dma_wait3A_411 = arith.constant 0 : i32
    %dma_wait3A_412 = tpu.memref_slice %arg13[%add3A_221, %dma_wait3A_411] : memref<10000x128xf32, #tpu.memory_space<vmem_shared>> -> memref<64x128xf32, #tpu.memory_space<vmem_shared>>
    %dma_wait3A_413 = arith.constant 0 : i32
    %dma_wait3A_414 = arith.constant 0 : i32
    %dma_wait3A_415 = tpu.memref_slice %arg6[%dma_wait3A_401, %dma_wait3A_413, %dma_wait3A_414] : memref<4x64x128xf32, #tpu.memory_space<vmem>> -> memref<1x64x128xf32, #tpu.memory_space<vmem>>
    %dma_wait3A_416 = tpu.memref_squeeze %dma_wait3A_415 : memref<1x64x128xf32, #tpu.memory_space<vmem>> -> memref<64x128xf32, #tpu.memory_space<vmem>>
    tpu.wait_dma2 semaphore(%dma_wait3A_410 : memref<!tpu.dma_semaphore, #tpu.memory_space<semaphore_mem>>) src(%dma_wait3A_416 : memref<64x128xf32, #tpu.memory_space<vmem>>) dst(%dma_wait3A_412 : memref<64x128xf32, #tpu.memory_space<vmem_shared>>)
    %dma_wait3A_417 = arith.constant 3 : i32
    %dma_wait3A_418 = arith.constant 3 : i32
    %dma_wait3A_419 = arith.constant 0 : i32
    %dma_wait3A_420 = arith.constant 0 : i32
    %dma_wait3A_421 = tpu.memref_slice %arg6[%dma_wait3A_417, %dma_wait3A_419, %dma_wait3A_420] : memref<4x64x128xf32, #tpu.memory_space<vmem>> -> memref<1x64x128xf32, #tpu.memory_space<vmem>>
    %dma_wait3A_422 = tpu.memref_squeeze %dma_wait3A_421 : memref<1x64x128xf32, #tpu.memory_space<vmem>> -> memref<64x128xf32, #tpu.memory_space<vmem>>
    %dma_wait3A_423 = arith.constant 0 : i32
    %dma_wait3A_424 = tpu.memref_slice %arg13[%add3A_241, %dma_wait3A_423] : memref<10000x128xf32, #tpu.memory_space<vmem_shared>> -> memref<64x128xf32, #tpu.memory_space<vmem_shared>>
    %dma_wait3A_425 = tpu.memref_slice %arg12[%dma_wait3A_418] : memref<4x!tpu.dma_semaphore, #tpu.memory_space<semaphore_mem>> -> memref<1x!tpu.dma_semaphore, #tpu.memory_space<semaphore_mem>>
    %dma_wait3A_426 = tpu.memref_squeeze %dma_wait3A_425 : memref<1x!tpu.dma_semaphore, #tpu.memory_space<semaphore_mem>> -> memref<!tpu.dma_semaphore, #tpu.memory_space<semaphore_mem>>
    %dma_wait3A_427 = arith.constant 0 : i32
    %dma_wait3A_428 = tpu.memref_slice %arg13[%add3A_241, %dma_wait3A_427] : memref<10000x128xf32, #tpu.memory_space<vmem_shared>> -> memref<64x128xf32, #tpu.memory_space<vmem_shared>>
    %dma_wait3A_429 = arith.constant 0 : i32
    %dma_wait3A_430 = arith.constant 0 : i32
    %dma_wait3A_431 = tpu.memref_slice %arg6[%dma_wait3A_417, %dma_wait3A_429, %dma_wait3A_430] : memref<4x64x128xf32, #tpu.memory_space<vmem>> -> memref<1x64x128xf32, #tpu.memory_space<vmem>>
    %dma_wait3A_432 = tpu.memref_squeeze %dma_wait3A_431 : memref<1x64x128xf32, #tpu.memory_space<vmem>> -> memref<64x128xf32, #tpu.memory_space<vmem>>
    tpu.wait_dma2 semaphore(%dma_wait3A_426 : memref<!tpu.dma_semaphore, #tpu.memory_space<semaphore_mem>>) src(%dma_wait3A_432 : memref<64x128xf32, #tpu.memory_space<vmem>>) dst(%dma_wait3A_428 : memref<64x128xf32, #tpu.memory_space<vmem_shared>>)
    %dma_wait3A_433 = arith.constant 3 : i32
    %dma_wait3A_434 = arith.constant 3 : i32
    %dma_wait3A_435 = arith.constant 0 : i32
    %dma_wait3A_436 = arith.constant 0 : i32
    %dma_wait3A_437 = tpu.memref_slice %arg6[%dma_wait3A_433, %dma_wait3A_435, %dma_wait3A_436] : memref<4x64x128xf32, #tpu.memory_space<vmem>> -> memref<1x64x128xf32, #tpu.memory_space<vmem>>
    %dma_wait3A_438 = tpu.memref_squeeze %dma_wait3A_437 : memref<1x64x128xf32, #tpu.memory_space<vmem>> -> memref<64x128xf32, #tpu.memory_space<vmem>>
    %dma_wait3A_439 = arith.constant 0 : i32
    %dma_wait3A_440 = tpu.memref_slice %arg13[%add3A_261, %dma_wait3A_439] : memref<10000x128xf32, #tpu.memory_space<vmem_shared>> -> memref<64x128xf32, #tpu.memory_space<vmem_shared>>
    %dma_wait3A_441 = tpu.memref_slice %arg12[%dma_wait3A_434] : memref<4x!tpu.dma_semaphore, #tpu.memory_space<semaphore_mem>> -> memref<1x!tpu.dma_semaphore, #tpu.memory_space<semaphore_mem>>
    %dma_wait3A_442 = tpu.memref_squeeze %dma_wait3A_441 : memref<1x!tpu.dma_semaphore, #tpu.memory_space<semaphore_mem>> -> memref<!tpu.dma_semaphore, #tpu.memory_space<semaphore_mem>>
    %dma_wait3A_443 = arith.constant 0 : i32
    %dma_wait3A_444 = tpu.memref_slice %arg13[%add3A_261, %dma_wait3A_443] : memref<10000x128xf32, #tpu.memory_space<vmem_shared>> -> memref<64x128xf32, #tpu.memory_space<vmem_shared>>
    %dma_wait3A_445 = arith.constant 0 : i32
    %dma_wait3A_446 = arith.constant 0 : i32
    %dma_wait3A_447 = tpu.memref_slice %arg6[%dma_wait3A_433, %dma_wait3A_445, %dma_wait3A_446] : memref<4x64x128xf32, #tpu.memory_space<vmem>> -> memref<1x64x128xf32, #tpu.memory_space<vmem>>
    %dma_wait3A_448 = tpu.memref_squeeze %dma_wait3A_447 : memref<1x64x128xf32, #tpu.memory_space<vmem>> -> memref<64x128xf32, #tpu.memory_space<vmem>>
    tpu.wait_dma2 semaphore(%dma_wait3A_442 : memref<!tpu.dma_semaphore, #tpu.memory_space<semaphore_mem>>) src(%dma_wait3A_448 : memref<64x128xf32, #tpu.memory_space<vmem>>) dst(%dma_wait3A_444 : memref<64x128xf32, #tpu.memory_space<vmem_shared>>)
    %dma_wait3A_449 = arith.constant 3 : i32
    %dma_wait3A_450 = arith.constant 3 : i32
    %dma_wait3A_451 = arith.constant 0 : i32
    %dma_wait3A_452 = arith.constant 0 : i32
    %dma_wait3A_453 = tpu.memref_slice %arg6[%dma_wait3A_449, %dma_wait3A_451, %dma_wait3A_452] : memref<4x64x128xf32, #tpu.memory_space<vmem>> -> memref<1x48x128xf32, #tpu.memory_space<vmem>>
    %dma_wait3A_454 = tpu.memref_squeeze %dma_wait3A_453 : memref<1x48x128xf32, #tpu.memory_space<vmem>> -> memref<48x128xf32, #tpu.memory_space<vmem>>
    %dma_wait3A_455 = arith.constant 0 : i32
    %dma_wait3A_456 = tpu.memref_slice %arg13[%add3A_281, %dma_wait3A_455] : memref<10000x128xf32, #tpu.memory_space<vmem_shared>> -> memref<48x128xf32, #tpu.memory_space<vmem_shared>>
    %dma_wait3A_457 = tpu.memref_slice %arg12[%dma_wait3A_450] : memref<4x!tpu.dma_semaphore, #tpu.memory_space<semaphore_mem>> -> memref<1x!tpu.dma_semaphore, #tpu.memory_space<semaphore_mem>>
    %dma_wait3A_458 = tpu.memref_squeeze %dma_wait3A_457 : memref<1x!tpu.dma_semaphore, #tpu.memory_space<semaphore_mem>> -> memref<!tpu.dma_semaphore, #tpu.memory_space<semaphore_mem>>
    %dma_wait3A_459 = arith.constant 0 : i32
    %dma_wait3A_460 = tpu.memref_slice %arg13[%add3A_281, %dma_wait3A_459] : memref<10000x128xf32, #tpu.memory_space<vmem_shared>> -> memref<48x128xf32, #tpu.memory_space<vmem_shared>>
    %dma_wait3A_461 = arith.constant 0 : i32
    %dma_wait3A_462 = arith.constant 0 : i32
    %dma_wait3A_463 = tpu.memref_slice %arg6[%dma_wait3A_449, %dma_wait3A_461, %dma_wait3A_462] : memref<4x64x128xf32, #tpu.memory_space<vmem>> -> memref<1x48x128xf32, #tpu.memory_space<vmem>>
    %dma_wait3A_464 = tpu.memref_squeeze %dma_wait3A_463 : memref<1x48x128xf32, #tpu.memory_space<vmem>> -> memref<48x128xf32, #tpu.memory_space<vmem>>
    tpu.wait_dma2 semaphore(%dma_wait3A_458 : memref<!tpu.dma_semaphore, #tpu.memory_space<semaphore_mem>>) src(%dma_wait3A_464 : memref<48x128xf32, #tpu.memory_space<vmem>>) dst(%dma_wait3A_460 : memref<48x128xf32, #tpu.memory_space<vmem_shared>>)
    %add3A_465 = arith.constant 192 : i32
    %add3A_466 = arith.addi %mul3A_2, %add3A_465 : i32
    %dma_start3A_467 = arith.constant 3 : i32
    %dma_start3A_468 = arith.constant 3 : i32
    %dma_start3A_469 = arith.constant 0 : i32
    %dma_start3A_470 = arith.constant 0 : i32
    %dma_start3A_471 = tpu.memref_slice %arg6[%dma_start3A_467, %dma_start3A_469, %dma_start3A_470] : memref<4x64x128xf32, #tpu.memory_space<vmem>> -> memref<1x64x128xf32, #tpu.memory_space<vmem>>
    %dma_start3A_472 = tpu.memref_squeeze %dma_start3A_471 : memref<1x64x128xf32, #tpu.memory_space<vmem>> -> memref<64x128xf32, #tpu.memory_space<vmem>>
    %dma_start3A_473 = arith.constant 0 : i32
    %dma_start3A_474 = tpu.memref_slice %arg2[%add3A_466, %dma_start3A_473] : memref<320000x128xf32, #tpu.memory_space<hbm>> -> memref<64x128xf32, #tpu.memory_space<hbm>>
    %dma_start3A_475 = tpu.memref_slice %arg10[%dma_start3A_468] : memref<4x!tpu.dma_semaphore, #tpu.memory_space<semaphore_mem>> -> memref<1x!tpu.dma_semaphore, #tpu.memory_space<semaphore_mem>>
    %dma_start3A_476 = tpu.memref_squeeze %dma_start3A_475 : memref<1x!tpu.dma_semaphore, #tpu.memory_space<semaphore_mem>> -> memref<!tpu.dma_semaphore, #tpu.memory_space<semaphore_mem>>
    %dma_start3A_477 = arith.constant 0 : i32
    %dma_start3A_478 = arith.constant 0 : i32
    %dma_start3A_479 = tpu.memref_slice %arg6[%dma_start3A_467, %dma_start3A_477, %dma_start3A_478] : memref<4x64x128xf32, #tpu.memory_space<vmem>> -> memref<1x64x128xf32, #tpu.memory_space<vmem>>
    %dma_start3A_480 = tpu.memref_squeeze %dma_start3A_479 : memref<1x64x128xf32, #tpu.memory_space<vmem>> -> memref<64x128xf32, #tpu.memory_space<vmem>>
    %dma_start3A_481 = arith.constant 0 : i32
    %dma_start3A_482 = tpu.memref_slice %arg2[%add3A_466, %dma_start3A_481] : memref<320000x128xf32, #tpu.memory_space<hbm>> -> memref<64x128xf32, #tpu.memory_space<hbm>>
    tpu.enqueue_dma source(%dma_start3A_482 : memref<64x128xf32, #tpu.memory_space<hbm>>) target(%dma_start3A_480 : memref<64x128xf32, #tpu.memory_space<vmem>>) target_semaphore(%dma_start3A_476 : memref<!tpu.dma_semaphore, #tpu.memory_space<semaphore_mem>>)
    %dma_start3A_483 = arith.constant 3 : i32
    %dma_start3A_484 = arith.constant 3 : i32
    %dma_start3A_485 = arith.constant 0 : i32
    %dma_start3A_486 = tpu.memref_slice %arg7[%dma_start3A_483, %dma_start3A_485] : memref<4x64xi32, #tpu.memory_space<vmem>> -> memref<1x64xi32, #tpu.memory_space<vmem>>
    %dma_start3A_487 = tpu.memref_squeeze %dma_start3A_486 : memref<1x64xi32, #tpu.memory_space<vmem>> -> memref<64xi32, #tpu.memory_space<vmem>>
    %dma_start3A_488 = tpu.memref_slice %arg3[%add3A_466] : memref<320000xi32, #tpu.memory_space<hbm>> -> memref<64xi32, #tpu.memory_space<hbm>>
    %dma_start3A_489 = tpu.memref_slice %arg11[%dma_start3A_484] : memref<4x!tpu.dma_semaphore, #tpu.memory_space<semaphore_mem>> -> memref<1x!tpu.dma_semaphore, #tpu.memory_space<semaphore_mem>>
    %dma_start3A_490 = tpu.memref_squeeze %dma_start3A_489 : memref<1x!tpu.dma_semaphore, #tpu.memory_space<semaphore_mem>> -> memref<!tpu.dma_semaphore, #tpu.memory_space<semaphore_mem>>
    %dma_start3A_491 = arith.constant 0 : i32
    %dma_start3A_492 = tpu.memref_slice %arg7[%dma_start3A_483, %dma_start3A_491] : memref<4x64xi32, #tpu.memory_space<vmem>> -> memref<1x64xi32, #tpu.memory_space<vmem>>
    %dma_start3A_493 = tpu.memref_squeeze %dma_start3A_492 : memref<1x64xi32, #tpu.memory_space<vmem>> -> memref<64xi32, #tpu.memory_space<vmem>>
    %dma_start3A_494 = tpu.memref_slice %arg3[%add3A_466] : memref<320000xi32, #tpu.memory_space<hbm>> -> memref<64xi32, #tpu.memory_space<hbm>>
    tpu.enqueue_dma source(%dma_start3A_494 : memref<64xi32, #tpu.memory_space<hbm>>) target(%dma_start3A_493 : memref<64xi32, #tpu.memory_space<vmem>>) target_semaphore(%dma_start3A_490 : memref<!tpu.dma_semaphore, #tpu.memory_space<semaphore_mem>>)
    %barrier3A = arith.constant 0 : index
    tpu.barrier barrier_id(%barrier3A)
    %scan3A_495 = arith.constant 0 : i32
    %scan3A_496 = arith.constant 0 : i32
    %scan3A_497 = arith.constant 39 : i32
    %scan3A_498 = arith.addi %scan3A_496, %scan3A_497 : i32
    %scan3A_499 = arith.constant 1 : i32
    scf.for %scan3A_534 = %scan3A_496 to %scan3A_498 step %scan3A_499  : i32 {
      %mul3A_535 = arith.constant 4 : i32
      %mul3A_536 = arith.muli %scan3A_534, %mul3A_535 : i32
      %add3A_537 = arith.constant 0 : i32
      %add3A_538 = arith.addi %mul3A_536, %add3A_537 : i32
      %mul3A_539 = arith.constant 64 : i32
      %mul3A_540 = arith.muli %add3A_538, %mul3A_539 : i32
      %add3A_541 = arith.addi %mul3A_2, %mul3A_540 : i32
      %dma_wait3A_542 = arith.constant 0 : i32
      %dma_wait3A_543 = arith.constant 0 : i32
      %dma_wait3A_544 = arith.constant 0 : i32
      %dma_wait3A_545 = arith.constant 0 : i32
      %dma_wait3A_546 = tpu.memref_slice %arg6[%dma_wait3A_542, %dma_wait3A_544, %dma_wait3A_545] : memref<4x64x128xf32, #tpu.memory_space<vmem>> -> memref<1x64x128xf32, #tpu.memory_space<vmem>>
      %dma_wait3A_547 = tpu.memref_squeeze %dma_wait3A_546 : memref<1x64x128xf32, #tpu.memory_space<vmem>> -> memref<64x128xf32, #tpu.memory_space<vmem>>
      %dma_wait3A_548 = arith.constant 0 : i32
      %dma_wait3A_549 = tpu.memref_slice %arg2[%add3A_541, %dma_wait3A_548] : memref<320000x128xf32, #tpu.memory_space<hbm>> -> memref<64x128xf32, #tpu.memory_space<hbm>>
      %dma_wait3A_550 = tpu.memref_slice %arg10[%dma_wait3A_543] : memref<4x!tpu.dma_semaphore, #tpu.memory_space<semaphore_mem>> -> memref<1x!tpu.dma_semaphore, #tpu.memory_space<semaphore_mem>>
      %dma_wait3A_551 = tpu.memref_squeeze %dma_wait3A_550 : memref<1x!tpu.dma_semaphore, #tpu.memory_space<semaphore_mem>> -> memref<!tpu.dma_semaphore, #tpu.memory_space<semaphore_mem>>
      %dma_wait3A_552 = arith.constant 0 : i32
      %dma_wait3A_553 = arith.constant 0 : i32
      %dma_wait3A_554 = tpu.memref_slice %arg6[%dma_wait3A_542, %dma_wait3A_552, %dma_wait3A_553] : memref<4x64x128xf32, #tpu.memory_space<vmem>> -> memref<1x64x128xf32, #tpu.memory_space<vmem>>
      %dma_wait3A_555 = tpu.memref_squeeze %dma_wait3A_554 : memref<1x64x128xf32, #tpu.memory_space<vmem>> -> memref<64x128xf32, #tpu.memory_space<vmem>>
      %dma_wait3A_556 = arith.constant 0 : i32
      %dma_wait3A_557 = tpu.memref_slice %arg2[%add3A_541, %dma_wait3A_556] : memref<320000x128xf32, #tpu.memory_space<hbm>> -> memref<64x128xf32, #tpu.memory_space<hbm>>
      tpu.wait_dma2 semaphore(%dma_wait3A_551 : memref<!tpu.dma_semaphore, #tpu.memory_space<semaphore_mem>>) src(%dma_wait3A_557 : memref<64x128xf32, #tpu.memory_space<hbm>>) dst(%dma_wait3A_555 : memref<64x128xf32, #tpu.memory_space<vmem>>)
      %dma_wait3A_558 = arith.constant 0 : i32
      %dma_wait3A_559 = arith.constant 0 : i32
      %dma_wait3A_560 = arith.constant 0 : i32
      %dma_wait3A_561 = tpu.memref_slice %arg7[%dma_wait3A_558, %dma_wait3A_560] : memref<4x64xi32, #tpu.memory_space<vmem>> -> memref<1x64xi32, #tpu.memory_space<vmem>>
      %dma_wait3A_562 = tpu.memref_squeeze %dma_wait3A_561 : memref<1x64xi32, #tpu.memory_space<vmem>> -> memref<64xi32, #tpu.memory_space<vmem>>
      %dma_wait3A_563 = tpu.memref_slice %arg3[%add3A_541] : memref<320000xi32, #tpu.memory_space<hbm>> -> memref<64xi32, #tpu.memory_space<hbm>>
      %dma_wait3A_564 = tpu.memref_slice %arg11[%dma_wait3A_559] : memref<4x!tpu.dma_semaphore, #tpu.memory_space<semaphore_mem>> -> memref<1x!tpu.dma_semaphore, #tpu.memory_space<semaphore_mem>>
      %dma_wait3A_565 = tpu.memref_squeeze %dma_wait3A_564 : memref<1x!tpu.dma_semaphore, #tpu.memory_space<semaphore_mem>> -> memref<!tpu.dma_semaphore, #tpu.memory_space<semaphore_mem>>
      %dma_wait3A_566 = arith.constant 0 : i32
      %dma_wait3A_567 = tpu.memref_slice %arg7[%dma_wait3A_558, %dma_wait3A_566] : memref<4x64xi32, #tpu.memory_space<vmem>> -> memref<1x64xi32, #tpu.memory_space<vmem>>
      %dma_wait3A_568 = tpu.memref_squeeze %dma_wait3A_567 : memref<1x64xi32, #tpu.memory_space<vmem>> -> memref<64xi32, #tpu.memory_space<vmem>>
      %dma_wait3A_569 = tpu.memref_slice %arg3[%add3A_541] : memref<320000xi32, #tpu.memory_space<hbm>> -> memref<64xi32, #tpu.memory_space<hbm>>
      tpu.wait_dma2 semaphore(%dma_wait3A_565 : memref<!tpu.dma_semaphore, #tpu.memory_space<semaphore_mem>>) src(%dma_wait3A_569 : memref<64xi32, #tpu.memory_space<hbm>>) dst(%dma_wait3A_568 : memref<64xi32, #tpu.memory_space<vmem>>)
      %get3A_570 = arith.constant 0 : i32
      %get3A_571 = arith.index_cast %get3A_570 : i32 to index
      %get3A_572 = arith.constant 0 : index
      %get3A_573 = tpu.vector_load %arg7[%get3A_571, %get3A_572] {strides = array<i32>} : memref<4x64xi32, #tpu.memory_space<vmem>>, vector<16xi32>,
      %broadcast_in_dim3A_574 = arith.constant true
      %broadcast_in_dim3A_575 = vector.broadcast %broadcast_in_dim3A_574 : i1 to vector<16xi1>
      %unique3A_576, %unique3A_577 = tpu.scan_count mask(%broadcast_in_dim3A_575 : vector<16xi1>) value(%get3A_573 : vector<16xi32>) : vector<16xi1>, vector<16xi32>
      %convert_element_type3A_578 = arith.sitofp %unique3A_577 : vector<16xi32> to vector<16xf32>
      tpu.vector_store_idx %arg9[%get3A_573], %convert_element_type3A_578 masked %unique3A_576 {add = true} : memref<10000xf32, #tpu.memory_space<vmem>>[vector<16xi32>], vector<16xf32>, vector<16xi1>
      %get3A_579 = arith.constant 0 : i32
      %get3A_580 = arith.index_cast %get3A_579 : i32 to index
      %get3A_581 = arith.constant 16 : index
      %get3A_582 = tpu.vector_load %arg7[%get3A_580, %get3A_581] {strides = array<i32>} : memref<4x64xi32, #tpu.memory_space<vmem>>, vector<16xi32>,
      %broadcast_in_dim3A_583 = arith.constant true
      %broadcast_in_dim3A_584 = vector.broadcast %broadcast_in_dim3A_583 : i1 to vector<16xi1>
      %unique3A_585, %unique3A_586 = tpu.scan_count mask(%broadcast_in_dim3A_584 : vector<16xi1>) value(%get3A_582 : vector<16xi32>) : vector<16xi1>, vector<16xi32>
      %convert_element_type3A_587 = arith.sitofp %unique3A_586 : vector<16xi32> to vector<16xf32>
      tpu.vector_store_idx %arg9[%get3A_582], %convert_element_type3A_587 masked %unique3A_585 {add = true} : memref<10000xf32, #tpu.memory_space<vmem>>[vector<16xi32>], vector<16xf32>, vector<16xi1>
      %get3A_588 = arith.constant 0 : i32
      %get3A_589 = arith.index_cast %get3A_588 : i32 to index
      %get3A_590 = arith.constant 32 : index
      %get3A_591 = tpu.vector_load %arg7[%get3A_589, %get3A_590] {strides = array<i32>} : memref<4x64xi32, #tpu.memory_space<vmem>>, vector<16xi32>,
      %broadcast_in_dim3A_592 = arith.constant true
      %broadcast_in_dim3A_593 = vector.broadcast %broadcast_in_dim3A_592 : i1 to vector<16xi1>
      %unique3A_594, %unique3A_595 = tpu.scan_count mask(%broadcast_in_dim3A_593 : vector<16xi1>) value(%get3A_591 : vector<16xi32>) : vector<16xi1>, vector<16xi32>
      %convert_element_type3A_596 = arith.sitofp %unique3A_595 : vector<16xi32> to vector<16xf32>
      tpu.vector_store_idx %arg9[%get3A_591], %convert_element_type3A_596 masked %unique3A_594 {add = true} : memref<10000xf32, #tpu.memory_space<vmem>>[vector<16xi32>], vector<16xf32>, vector<16xi1>
      %get3A_597 = arith.constant 0 : i32
      %get3A_598 = arith.index_cast %get3A_597 : i32 to index
      %get3A_599 = arith.constant 48 : index
      %get3A_600 = tpu.vector_load %arg7[%get3A_598, %get3A_599] {strides = array<i32>} : memref<4x64xi32, #tpu.memory_space<vmem>>, vector<16xi32>,
      %broadcast_in_dim3A_601 = arith.constant true
      %broadcast_in_dim3A_602 = vector.broadcast %broadcast_in_dim3A_601 : i1 to vector<16xi1>
      %unique3A_603, %unique3A_604 = tpu.scan_count mask(%broadcast_in_dim3A_602 : vector<16xi1>) value(%get3A_600 : vector<16xi32>) : vector<16xi1>, vector<16xi32>
      %convert_element_type3A_605 = arith.sitofp %unique3A_604 : vector<16xi32> to vector<16xf32>
      tpu.vector_store_idx %arg9[%get3A_600], %convert_element_type3A_605 masked %unique3A_603 {add = true} : memref<10000xf32, #tpu.memory_space<vmem>>[vector<16xi32>], vector<16xf32>, vector<16xi1>
      %dma_start3A_606 = arith.constant 0 : i32
      %dma_start3A_607 = arith.constant 0 : i32
      %dma_start3A_608 = arith.constant 0 : i32
      %dma_start3A_609 = arith.constant 0 : i32
      %dma_start3A_610 = arith.constant 0 : i32
      %dma_start3A_611 = tpu.memref_slice %arg6[%dma_start3A_606, %dma_start3A_609, %dma_start3A_610] : memref<4x64x128xf32, #tpu.memory_space<vmem>> -> memref<1x64x128xf32, #tpu.memory_space<vmem>>
      %dma_start3A_612 = tpu.memref_squeeze %dma_start3A_611 : memref<1x64x128xf32, #tpu.memory_space<vmem>> -> memref<64x128xf32, #tpu.memory_space<vmem>>
      %dma_start3A_613 = arith.constant 0 : i32
      %dma_start3A_614 = tpu.memref_slice %arg7[%dma_start3A_607, %dma_start3A_613] : memref<4x64xi32, #tpu.memory_space<vmem>> -> memref<1x64xi32, #tpu.memory_space<vmem>>
      %dma_start3A_615 = tpu.memref_squeeze %dma_start3A_614 : memref<1x64xi32, #tpu.memory_space<vmem>> -> memref<64xi32, #tpu.memory_space<vmem>>
      %dma_start3A_616 = arith.constant 0 : i32
      %dma_start3A_617 = arith.constant 0 : i32
      %dma_start3A_618 = tpu.memref_slice %arg13[%dma_start3A_616, %dma_start3A_617] : memref<10000x128xf32, #tpu.memory_space<vmem_shared>> -> memref<10000x128xf32, #tpu.memory_space<vmem_shared>>
      %dma_start3A_619 = tpu.memref_slice %arg12[%dma_start3A_608] : memref<4x!tpu.dma_semaphore, #tpu.memory_space<semaphore_mem>> -> memref<1x!tpu.dma_semaphore, #tpu.memory_space<semaphore_mem>>
      %dma_start3A_620 = tpu.memref_squeeze %dma_start3A_619 : memref<1x!tpu.dma_semaphore, #tpu.memory_space<semaphore_mem>> -> memref<!tpu.dma_semaphore, #tpu.memory_space<semaphore_mem>>
      tpu.enqueue_indirect_dma source(%dma_start3A_612 : memref<64x128xf32, #tpu.memory_space<vmem>>) target(%dma_start3A_618 : memref<10000x128xf32, #tpu.memory_space<vmem_shared>>) offsets(%dma_start3A_615 : memref<64xi32, #tpu.memory_space<vmem>>) semaphore(%dma_start3A_620 : memref<!tpu.dma_semaphore, #tpu.memory_space<semaphore_mem>>) {add = true}
      %ge3A = arith.constant 1 : i32
      %ge3A_621 = arith.cmpi sge, %add3A_538, %ge3A : i32
      %convert_element_type3A_622 = arith.extui %ge3A_621 : i1 to i32
      %cond3A_623 = arith.constant 0 : i32
      %cond3A_624 = arith.cmpi ne, %convert_element_type3A_622, %cond3A_623 : i32
      scf.if %cond3A_624 {
        %dma_wait3A_943 = arith.constant 3 : i32
        %dma_wait3A_944 = arith.constant 3 : i32
        %dma_wait3A_945 = arith.constant 3 : i32
        %dma_wait3A_946 = arith.constant 0 : i32
        %dma_wait3A_947 = arith.constant 0 : i32
        %dma_wait3A_948 = tpu.memref_slice %arg6[%dma_wait3A_943, %dma_wait3A_946, %dma_wait3A_947] : memref<4x64x128xf32, #tpu.memory_space<vmem>> -> memref<1x64x128xf32, #tpu.memory_space<vmem>>
        %dma_wait3A_949 = tpu.memref_squeeze %dma_wait3A_948 : memref<1x64x128xf32, #tpu.memory_space<vmem>> -> memref<64x128xf32, #tpu.memory_space<vmem>>
        %dma_wait3A_950 = arith.constant 0 : i32
        %dma_wait3A_951 = tpu.memref_slice %arg7[%dma_wait3A_944, %dma_wait3A_950] : memref<4x64xi32, #tpu.memory_space<vmem>> -> memref<1x64xi32, #tpu.memory_space<vmem>>
        %dma_wait3A_952 = tpu.memref_squeeze %dma_wait3A_951 : memref<1x64xi32, #tpu.memory_space<vmem>> -> memref<64xi32, #tpu.memory_space<vmem>>
        %dma_wait3A_953 = arith.constant 0 : i32
        %dma_wait3A_954 = arith.constant 0 : i32
        %dma_wait3A_955 = tpu.memref_slice %arg13[%dma_wait3A_953, %dma_wait3A_954] : memref<10000x128xf32, #tpu.memory_space<vmem_shared>> -> memref<10000x128xf32, #tpu.memory_space<vmem_shared>>
        %dma_wait3A_956 = tpu.memref_slice %arg12[%dma_wait3A_945] : memref<4x!tpu.dma_semaphore, #tpu.memory_space<semaphore_mem>> -> memref<1x!tpu.dma_semaphore, #tpu.memory_space<semaphore_mem>>
        %dma_wait3A_957 = tpu.memref_squeeze %dma_wait3A_956 : memref<1x!tpu.dma_semaphore, #tpu.memory_space<semaphore_mem>> -> memref<!tpu.dma_semaphore, #tpu.memory_space<semaphore_mem>>
        tpu.wait_indirect_dma semaphore(%dma_wait3A_957 : memref<!tpu.dma_semaphore, #tpu.memory_space<semaphore_mem>>) src(%dma_wait3A_949 : memref<64x128xf32, #tpu.memory_space<vmem>>) dst(%dma_wait3A_955 : memref<10000x128xf32, #tpu.memory_space<vmem_shared>>)
      } else {
      }
      %ge3A_625 = arith.constant 1 : i32
      %ge3A_626 = arith.cmpi sge, %add3A_538, %ge3A_625 : i32
      %add3A_627 = arith.constant 4 : i32
      %add3A_628 = arith.addi %add3A_538, %add3A_627 : i32
      %sub3A = arith.constant 1 : i32
      %sub3A_629 = arith.subi %add3A_628, %sub3A : i32
      %lt3A = arith.constant 156 : i32
      %lt3A_630 = arith.cmpi slt, %sub3A_629, %lt3A : i32
      %and3A = arith.andi %ge3A_626, %lt3A_630 : i1
      %convert_element_type3A_631 = arith.extui %and3A : i1 to i32
      %cond3A_632 = arith.constant 0 : i32
      %cond3A_633 = arith.cmpi ne, %convert_element_type3A_631, %cond3A_632 : i32
      scf.if %cond3A_633 {
        %add3A_943 = arith.constant 4 : i32
        %add3A_944 = arith.addi %add3A_538, %add3A_943 : i32
        %sub3A_945 = arith.constant 1 : i32
        %sub3A_946 = arith.subi %add3A_944, %sub3A_945 : i32
        %mul3A_947 = arith.constant 64 : i32
        %mul3A_948 = arith.muli %sub3A_946, %mul3A_947 : i32
        %add3A_949 = arith.addi %mul3A_2, %mul3A_948 : i32
        %dma_start3A_950 = arith.constant 3 : i32
        %dma_start3A_951 = arith.constant 3 : i32
        %dma_start3A_952 = arith.constant 0 : i32
        %dma_start3A_953 = arith.constant 0 : i32
        %dma_start3A_954 = tpu.memref_slice %arg6[%dma_start3A_950, %dma_start3A_952, %dma_start3A_953] : memref<4x64x128xf32, #tpu.memory_space<vmem>> -> memref<1x64x128xf32, #tpu.memory_space<vmem>>
        %dma_start3A_955 = tpu.memref_squeeze %dma_start3A_954 : memref<1x64x128xf32, #tpu.memory_space<vmem>> -> memref<64x128xf32, #tpu.memory_space<vmem>>
        %dma_start3A_956 = arith.constant 0 : i32
        %dma_start3A_957 = tpu.memref_slice %arg2[%add3A_949, %dma_start3A_956] : memref<320000x128xf32, #tpu.memory_space<hbm>> -> memref<64x128xf32, #tpu.memory_space<hbm>>
        %dma_start3A_958 = tpu.memref_slice %arg10[%dma_start3A_951] : memref<4x!tpu.dma_semaphore, #tpu.memory_space<semaphore_mem>> -> memref<1x!tpu.dma_semaphore, #tpu.memory_space<semaphore_mem>>
        %dma_start3A_959 = tpu.memref_squeeze %dma_start3A_958 : memref<1x!tpu.dma_semaphore, #tpu.memory_space<semaphore_mem>> -> memref<!tpu.dma_semaphore, #tpu.memory_space<semaphore_mem>>
        %dma_start3A_960 = arith.constant 0 : i32
        %dma_start3A_961 = arith.constant 0 : i32
        %dma_start3A_962 = tpu.memref_slice %arg6[%dma_start3A_950, %dma_start3A_960, %dma_start3A_961] : memref<4x64x128xf32, #tpu.memory_space<vmem>> -> memref<1x64x128xf32, #tpu.memory_space<vmem>>
        %dma_start3A_963 = tpu.memref_squeeze %dma_start3A_962 : memref<1x64x128xf32, #tpu.memory_space<vmem>> -> memref<64x128xf32, #tpu.memory_space<vmem>>
        %dma_start3A_964 = arith.constant 0 : i32
        %dma_start3A_965 = tpu.memref_slice %arg2[%add3A_949, %dma_start3A_964] : memref<320000x128xf32, #tpu.memory_space<hbm>> -> memref<64x128xf32, #tpu.memory_space<hbm>>
        tpu.enqueue_dma source(%dma_start3A_965 : memref<64x128xf32, #tpu.memory_space<hbm>>) target(%dma_start3A_963 : memref<64x128xf32, #tpu.memory_space<vmem>>) target_semaphore(%dma_start3A_959 : memref<!tpu.dma_semaphore, #tpu.memory_space<semaphore_mem>>)
        %dma_start3A_966 = arith.constant 3 : i32
        %dma_start3A_967 = arith.constant 3 : i32
        %dma_start3A_968 = arith.constant 0 : i32
        %dma_start3A_969 = tpu.memref_slice %arg7[%dma_start3A_966, %dma_start3A_968] : memref<4x64xi32, #tpu.memory_space<vmem>> -> memref<1x64xi32, #tpu.memory_space<vmem>>
        %dma_start3A_970 = tpu.memref_squeeze %dma_start3A_969 : memref<1x64xi32, #tpu.memory_space<vmem>> -> memref<64xi32, #tpu.memory_space<vmem>>
        %dma_start3A_971 = tpu.memref_slice %arg3[%add3A_949] : memref<320000xi32, #tpu.memory_space<hbm>> -> memref<64xi32, #tpu.memory_space<hbm>>
        %dma_start3A_972 = tpu.memref_slice %arg11[%dma_start3A_967] : memref<4x!tpu.dma_semaphore, #tpu.memory_space<semaphore_mem>> -> memref<1x!tpu.dma_semaphore, #tpu.memory_space<semaphore_mem>>
        %dma_start3A_973 = tpu.memref_squeeze %dma_start3A_972 : memref<1x!tpu.dma_semaphore, #tpu.memory_space<semaphore_mem>> -> memref<!tpu.dma_semaphore, #tpu.memory_space<semaphore_mem>>
        %dma_start3A_974 = arith.constant 0 : i32
        %dma_start3A_975 = tpu.memref_slice %arg7[%dma_start3A_966, %dma_start3A_974] : memref<4x64xi32, #tpu.memory_space<vmem>> -> memref<1x64xi32, #tpu.memory_space<vmem>>
        %dma_start3A_976 = tpu.memref_squeeze %dma_start3A_975 : memref<1x64xi32, #tpu.memory_space<vmem>> -> memref<64xi32, #tpu.memory_space<vmem>>
        %dma_start3A_977 = tpu.memref_slice %arg3[%add3A_949] : memref<320000xi32, #tpu.memory_space<hbm>> -> memref<64xi32, #tpu.memory_space<hbm>>
        tpu.enqueue_dma source(%dma_start3A_977 : memref<64xi32, #tpu.memory_space<hbm>>) target(%dma_start3A_976 : memref<64xi32, #tpu.memory_space<vmem>>) target_semaphore(%dma_start3A_973 : memref<!tpu.dma_semaphore, #tpu.memory_space<semaphore_mem>>)
      } else {
      }
      %mul3A_634 = arith.constant 4 : i32
      %mul3A_635 = arith.muli %scan3A_534, %mul3A_634 : i32
      %add3A_636 = arith.constant 1 : i32
      %add3A_637 = arith.addi %mul3A_635, %add3A_636 : i32
      %mul3A_638 = arith.constant 64 : i32
      %mul3A_639 = arith.muli %add3A_637, %mul3A_638 : i32
      %add3A_640 = arith.addi %mul3A_2, %mul3A_639 : i32
      %dma_wait3A_641 = arith.constant 1 : i32
      %dma_wait3A_642 = arith.constant 1 : i32
      %dma_wait3A_643 = arith.constant 0 : i32
      %dma_wait3A_644 = arith.constant 0 : i32
      %dma_wait3A_645 = tpu.memref_slice %arg6[%dma_wait3A_641, %dma_wait3A_643, %dma_wait3A_644] : memref<4x64x128xf32, #tpu.memory_space<vmem>> -> memref<1x64x128xf32, #tpu.memory_space<vmem>>
      %dma_wait3A_646 = tpu.memref_squeeze %dma_wait3A_645 : memref<1x64x128xf32, #tpu.memory_space<vmem>> -> memref<64x128xf32, #tpu.memory_space<vmem>>
      %dma_wait3A_647 = arith.constant 0 : i32
      %dma_wait3A_648 = tpu.memref_slice %arg2[%add3A_640, %dma_wait3A_647] : memref<320000x128xf32, #tpu.memory_space<hbm>> -> memref<64x128xf32, #tpu.memory_space<hbm>>
      %dma_wait3A_649 = tpu.memref_slice %arg10[%dma_wait3A_642] : memref<4x!tpu.dma_semaphore, #tpu.memory_space<semaphore_mem>> -> memref<1x!tpu.dma_semaphore, #tpu.memory_space<semaphore_mem>>
      %dma_wait3A_650 = tpu.memref_squeeze %dma_wait3A_649 : memref<1x!tpu.dma_semaphore, #tpu.memory_space<semaphore_mem>> -> memref<!tpu.dma_semaphore, #tpu.memory_space<semaphore_mem>>
      %dma_wait3A_651 = arith.constant 0 : i32
      %dma_wait3A_652 = arith.constant 0 : i32
      %dma_wait3A_653 = tpu.memref_slice %arg6[%dma_wait3A_641, %dma_wait3A_651, %dma_wait3A_652] : memref<4x64x128xf32, #tpu.memory_space<vmem>> -> memref<1x64x128xf32, #tpu.memory_space<vmem>>
      %dma_wait3A_654 = tpu.memref_squeeze %dma_wait3A_653 : memref<1x64x128xf32, #tpu.memory_space<vmem>> -> memref<64x128xf32, #tpu.memory_space<vmem>>
      %dma_wait3A_655 = arith.constant 0 : i32
      %dma_wait3A_656 = tpu.memref_slice %arg2[%add3A_640, %dma_wait3A_655] : memref<320000x128xf32, #tpu.memory_space<hbm>> -> memref<64x128xf32, #tpu.memory_space<hbm>>
      tpu.wait_dma2 semaphore(%dma_wait3A_650 : memref<!tpu.dma_semaphore, #tpu.memory_space<semaphore_mem>>) src(%dma_wait3A_656 : memref<64x128xf32, #tpu.memory_space<hbm>>) dst(%dma_wait3A_654 : memref<64x128xf32, #tpu.memory_space<vmem>>)
      %dma_wait3A_657 = arith.constant 1 : i32
      %dma_wait3A_658 = arith.constant 1 : i32
      %dma_wait3A_659 = arith.constant 0 : i32
      %dma_wait3A_660 = tpu.memref_slice %arg7[%dma_wait3A_657, %dma_wait3A_659] : memref<4x64xi32, #tpu.memory_space<vmem>> -> memref<1x64xi32, #tpu.memory_space<vmem>>
      %dma_wait3A_661 = tpu.memref_squeeze %dma_wait3A_660 : memref<1x64xi32, #tpu.memory_space<vmem>> -> memref<64xi32, #tpu.memory_space<vmem>>
      %dma_wait3A_662 = tpu.memref_slice %arg3[%add3A_640] : memref<320000xi32, #tpu.memory_space<hbm>> -> memref<64xi32, #tpu.memory_space<hbm>>
      %dma_wait3A_663 = tpu.memref_slice %arg11[%dma_wait3A_658] : memref<4x!tpu.dma_semaphore, #tpu.memory_space<semaphore_mem>> -> memref<1x!tpu.dma_semaphore, #tpu.memory_space<semaphore_mem>>
      %dma_wait3A_664 = tpu.memref_squeeze %dma_wait3A_663 : memref<1x!tpu.dma_semaphore, #tpu.memory_space<semaphore_mem>> -> memref<!tpu.dma_semaphore, #tpu.memory_space<semaphore_mem>>
      %dma_wait3A_665 = arith.constant 0 : i32
      %dma_wait3A_666 = tpu.memref_slice %arg7[%dma_wait3A_657, %dma_wait3A_665] : memref<4x64xi32, #tpu.memory_space<vmem>> -> memref<1x64xi32, #tpu.memory_space<vmem>>
      %dma_wait3A_667 = tpu.memref_squeeze %dma_wait3A_666 : memref<1x64xi32, #tpu.memory_space<vmem>> -> memref<64xi32, #tpu.memory_space<vmem>>
      %dma_wait3A_668 = tpu.memref_slice %arg3[%add3A_640] : memref<320000xi32, #tpu.memory_space<hbm>> -> memref<64xi32, #tpu.memory_space<hbm>>
      tpu.wait_dma2 semaphore(%dma_wait3A_664 : memref<!tpu.dma_semaphore, #tpu.memory_space<semaphore_mem>>) src(%dma_wait3A_668 : memref<64xi32, #tpu.memory_space<hbm>>) dst(%dma_wait3A_667 : memref<64xi32, #tpu.memory_space<vmem>>)
      %get3A_669 = arith.constant 1 : i32
      %get3A_670 = arith.index_cast %get3A_669 : i32 to index
      %get3A_671 = arith.constant 0 : index
      %get3A_672 = tpu.vector_load %arg7[%get3A_670, %get3A_671] {strides = array<i32>} : memref<4x64xi32, #tpu.memory_space<vmem>>, vector<16xi32>,
      %broadcast_in_dim3A_673 = arith.constant true
      %broadcast_in_dim3A_674 = vector.broadcast %broadcast_in_dim3A_673 : i1 to vector<16xi1>
      %unique3A_675, %unique3A_676 = tpu.scan_count mask(%broadcast_in_dim3A_674 : vector<16xi1>) value(%get3A_672 : vector<16xi32>) : vector<16xi1>, vector<16xi32>
      %convert_element_type3A_677 = arith.sitofp %unique3A_676 : vector<16xi32> to vector<16xf32>
      tpu.vector_store_idx %arg9[%get3A_672], %convert_element_type3A_677 masked %unique3A_675 {add = true} : memref<10000xf32, #tpu.memory_space<vmem>>[vector<16xi32>], vector<16xf32>, vector<16xi1>
      %get3A_678 = arith.constant 1 : i32
      %get3A_679 = arith.index_cast %get3A_678 : i32 to index
      %get3A_680 = arith.constant 16 : index
      %get3A_681 = tpu.vector_load %arg7[%get3A_679, %get3A_680] {strides = array<i32>} : memref<4x64xi32, #tpu.memory_space<vmem>>, vector<16xi32>,
      %broadcast_in_dim3A_682 = arith.constant true
      %broadcast_in_dim3A_683 = vector.broadcast %broadcast_in_dim3A_682 : i1 to vector<16xi1>
      %unique3A_684, %unique3A_685 = tpu.scan_count mask(%broadcast_in_dim3A_683 : vector<16xi1>) value(%get3A_681 : vector<16xi32>) : vector<16xi1>, vector<16xi32>
      %convert_element_type3A_686 = arith.sitofp %unique3A_685 : vector<16xi32> to vector<16xf32>
      tpu.vector_store_idx %arg9[%get3A_681], %convert_element_type3A_686 masked %unique3A_684 {add = true} : memref<10000xf32, #tpu.memory_space<vmem>>[vector<16xi32>], vector<16xf32>, vector<16xi1>
      %get3A_687 = arith.constant 1 : i32
      %get3A_688 = arith.index_cast %get3A_687 : i32 to index
      %get3A_689 = arith.constant 32 : index
      %get3A_690 = tpu.vector_load %arg7[%get3A_688, %get3A_689] {strides = array<i32>} : memref<4x64xi32, #tpu.memory_space<vmem>>, vector<16xi32>,
      %broadcast_in_dim3A_691 = arith.constant true
      %broadcast_in_dim3A_692 = vector.broadcast %broadcast_in_dim3A_691 : i1 to vector<16xi1>
      %unique3A_693, %unique3A_694 = tpu.scan_count mask(%broadcast_in_dim3A_692 : vector<16xi1>) value(%get3A_690 : vector<16xi32>) : vector<16xi1>, vector<16xi32>
      %convert_element_type3A_695 = arith.sitofp %unique3A_694 : vector<16xi32> to vector<16xf32>
      tpu.vector_store_idx %arg9[%get3A_690], %convert_element_type3A_695 masked %unique3A_693 {add = true} : memref<10000xf32, #tpu.memory_space<vmem>>[vector<16xi32>], vector<16xf32>, vector<16xi1>
      %get3A_696 = arith.constant 1 : i32
      %get3A_697 = arith.index_cast %get3A_696 : i32 to index
      %get3A_698 = arith.constant 48 : index
      %get3A_699 = tpu.vector_load %arg7[%get3A_697, %get3A_698] {strides = array<i32>} : memref<4x64xi32, #tpu.memory_space<vmem>>, vector<16xi32>,
      %broadcast_in_dim3A_700 = arith.constant true
      %broadcast_in_dim3A_701 = vector.broadcast %broadcast_in_dim3A_700 : i1 to vector<16xi1>
      %unique3A_702, %unique3A_703 = tpu.scan_count mask(%broadcast_in_dim3A_701 : vector<16xi1>) value(%get3A_699 : vector<16xi32>) : vector<16xi1>, vector<16xi32>
      %convert_element_type3A_704 = arith.sitofp %unique3A_703 : vector<16xi32> to vector<16xf32>
      tpu.vector_store_idx %arg9[%get3A_699], %convert_element_type3A_704 masked %unique3A_702 {add = true} : memref<10000xf32, #tpu.memory_space<vmem>>[vector<16xi32>], vector<16xf32>, vector<16xi1>
      %dma_start3A_705 = arith.constant 1 : i32
      %dma_start3A_706 = arith.constant 1 : i32
      %dma_start3A_707 = arith.constant 1 : i32
      %dma_start3A_708 = arith.constant 0 : i32
      %dma_start3A_709 = arith.constant 0 : i32
      %dma_start3A_710 = tpu.memref_slice %arg6[%dma_start3A_705, %dma_start3A_708, %dma_start3A_709] : memref<4x64x128xf32, #tpu.memory_space<vmem>> -> memref<1x64x128xf32, #tpu.memory_space<vmem>>
      %dma_start3A_711 = tpu.memref_squeeze %dma_start3A_710 : memref<1x64x128xf32, #tpu.memory_space<vmem>> -> memref<64x128xf32, #tpu.memory_space<vmem>>
      %dma_start3A_712 = arith.constant 0 : i32
      %dma_start3A_713 = tpu.memref_slice %arg7[%dma_start3A_706, %dma_start3A_712] : memref<4x64xi32, #tpu.memory_space<vmem>> -> memref<1x64xi32, #tpu.memory_space<vmem>>
      %dma_start3A_714 = tpu.memref_squeeze %dma_start3A_713 : memref<1x64xi32, #tpu.memory_space<vmem>> -> memref<64xi32, #tpu.memory_space<vmem>>
      %dma_start3A_715 = arith.constant 0 : i32
      %dma_start3A_716 = arith.constant 0 : i32
      %dma_start3A_717 = tpu.memref_slice %arg13[%dma_start3A_715, %dma_start3A_716] : memref<10000x128xf32, #tpu.memory_space<vmem_shared>> -> memref<10000x128xf32, #tpu.memory_space<vmem_shared>>
      %dma_start3A_718 = tpu.memref_slice %arg12[%dma_start3A_707] : memref<4x!tpu.dma_semaphore, #tpu.memory_space<semaphore_mem>> -> memref<1x!tpu.dma_semaphore, #tpu.memory_space<semaphore_mem>>
      %dma_start3A_719 = tpu.memref_squeeze %dma_start3A_718 : memref<1x!tpu.dma_semaphore, #tpu.memory_space<semaphore_mem>> -> memref<!tpu.dma_semaphore, #tpu.memory_space<semaphore_mem>>
      tpu.enqueue_indirect_dma source(%dma_start3A_711 : memref<64x128xf32, #tpu.memory_space<vmem>>) target(%dma_start3A_717 : memref<10000x128xf32, #tpu.memory_space<vmem_shared>>) offsets(%dma_start3A_714 : memref<64xi32, #tpu.memory_space<vmem>>) semaphore(%dma_start3A_719 : memref<!tpu.dma_semaphore, #tpu.memory_space<semaphore_mem>>) {add = true}
      %ge3A_720 = arith.constant 1 : i32
      %ge3A_721 = arith.cmpi sge, %add3A_637, %ge3A_720 : i32
      %convert_element_type3A_722 = arith.extui %ge3A_721 : i1 to i32
      %cond3A_723 = arith.constant 0 : i32
      %cond3A_724 = arith.cmpi ne, %convert_element_type3A_722, %cond3A_723 : i32
      scf.if %cond3A_724 {
        %dma_wait3A_943 = arith.constant 0 : i32
        %dma_wait3A_944 = arith.constant 0 : i32
        %dma_wait3A_945 = arith.constant 0 : i32
        %dma_wait3A_946 = arith.constant 0 : i32
        %dma_wait3A_947 = arith.constant 0 : i32
        %dma_wait3A_948 = tpu.memref_slice %arg6[%dma_wait3A_943, %dma_wait3A_946, %dma_wait3A_947] : memref<4x64x128xf32, #tpu.memory_space<vmem>> -> memref<1x64x128xf32, #tpu.memory_space<vmem>>
        %dma_wait3A_949 = tpu.memref_squeeze %dma_wait3A_948 : memref<1x64x128xf32, #tpu.memory_space<vmem>> -> memref<64x128xf32, #tpu.memory_space<vmem>>
        %dma_wait3A_950 = arith.constant 0 : i32
        %dma_wait3A_951 = tpu.memref_slice %arg7[%dma_wait3A_944, %dma_wait3A_950] : memref<4x64xi32, #tpu.memory_space<vmem>> -> memref<1x64xi32, #tpu.memory_space<vmem>>
        %dma_wait3A_952 = tpu.memref_squeeze %dma_wait3A_951 : memref<1x64xi32, #tpu.memory_space<vmem>> -> memref<64xi32, #tpu.memory_space<vmem>>
        %dma_wait3A_953 = arith.constant 0 : i32
        %dma_wait3A_954 = arith.constant 0 : i32
        %dma_wait3A_955 = tpu.memref_slice %arg13[%dma_wait3A_953, %dma_wait3A_954] : memref<10000x128xf32, #tpu.memory_space<vmem_shared>> -> memref<10000x128xf32, #tpu.memory_space<vmem_shared>>
        %dma_wait3A_956 = tpu.memref_slice %arg12[%dma_wait3A_945] : memref<4x!tpu.dma_semaphore, #tpu.memory_space<semaphore_mem>> -> memref<1x!tpu.dma_semaphore, #tpu.memory_space<semaphore_mem>>
        %dma_wait3A_957 = tpu.memref_squeeze %dma_wait3A_956 : memref<1x!tpu.dma_semaphore, #tpu.memory_space<semaphore_mem>> -> memref<!tpu.dma_semaphore, #tpu.memory_space<semaphore_mem>>
        tpu.wait_indirect_dma semaphore(%dma_wait3A_957 : memref<!tpu.dma_semaphore, #tpu.memory_space<semaphore_mem>>) src(%dma_wait3A_949 : memref<64x128xf32, #tpu.memory_space<vmem>>) dst(%dma_wait3A_955 : memref<10000x128xf32, #tpu.memory_space<vmem_shared>>)
      } else {
      }
      %ge3A_725 = arith.constant 1 : i32
      %ge3A_726 = arith.cmpi sge, %add3A_637, %ge3A_725 : i32
      %add3A_727 = arith.constant 4 : i32
      %add3A_728 = arith.addi %add3A_637, %add3A_727 : i32
      %sub3A_729 = arith.constant 1 : i32
      %sub3A_730 = arith.subi %add3A_728, %sub3A_729 : i32
      %lt3A_731 = arith.constant 156 : i32
      %lt3A_732 = arith.cmpi slt, %sub3A_730, %lt3A_731 : i32
      %and3A_733 = arith.andi %ge3A_726, %lt3A_732 : i1
      %convert_element_type3A_734 = arith.extui %and3A_733 : i1 to i32
      %cond3A_735 = arith.constant 0 : i32
      %cond3A_736 = arith.cmpi ne, %convert_element_type3A_734, %cond3A_735 : i32
      scf.if %cond3A_736 {
        %add3A_943 = arith.constant 4 : i32
        %add3A_944 = arith.addi %add3A_637, %add3A_943 : i32
        %sub3A_945 = arith.constant 1 : i32
        %sub3A_946 = arith.subi %add3A_944, %sub3A_945 : i32
        %mul3A_947 = arith.constant 64 : i32
        %mul3A_948 = arith.muli %sub3A_946, %mul3A_947 : i32
        %add3A_949 = arith.addi %mul3A_2, %mul3A_948 : i32
        %dma_start3A_950 = arith.constant 0 : i32
        %dma_start3A_951 = arith.constant 0 : i32
        %dma_start3A_952 = arith.constant 0 : i32
        %dma_start3A_953 = arith.constant 0 : i32
        %dma_start3A_954 = tpu.memref_slice %arg6[%dma_start3A_950, %dma_start3A_952, %dma_start3A_953] : memref<4x64x128xf32, #tpu.memory_space<vmem>> -> memref<1x64x128xf32, #tpu.memory_space<vmem>>
        %dma_start3A_955 = tpu.memref_squeeze %dma_start3A_954 : memref<1x64x128xf32, #tpu.memory_space<vmem>> -> memref<64x128xf32, #tpu.memory_space<vmem>>
        %dma_start3A_956 = arith.constant 0 : i32
        %dma_start3A_957 = tpu.memref_slice %arg2[%add3A_949, %dma_start3A_956] : memref<320000x128xf32, #tpu.memory_space<hbm>> -> memref<64x128xf32, #tpu.memory_space<hbm>>
        %dma_start3A_958 = tpu.memref_slice %arg10[%dma_start3A_951] : memref<4x!tpu.dma_semaphore, #tpu.memory_space<semaphore_mem>> -> memref<1x!tpu.dma_semaphore, #tpu.memory_space<semaphore_mem>>
        %dma_start3A_959 = tpu.memref_squeeze %dma_start3A_958 : memref<1x!tpu.dma_semaphore, #tpu.memory_space<semaphore_mem>> -> memref<!tpu.dma_semaphore, #tpu.memory_space<semaphore_mem>>
        %dma_start3A_960 = arith.constant 0 : i32
        %dma_start3A_961 = arith.constant 0 : i32
        %dma_start3A_962 = tpu.memref_slice %arg6[%dma_start3A_950, %dma_start3A_960, %dma_start3A_961] : memref<4x64x128xf32, #tpu.memory_space<vmem>> -> memref<1x64x128xf32, #tpu.memory_space<vmem>>
        %dma_start3A_963 = tpu.memref_squeeze %dma_start3A_962 : memref<1x64x128xf32, #tpu.memory_space<vmem>> -> memref<64x128xf32, #tpu.memory_space<vmem>>
        %dma_start3A_964 = arith.constant 0 : i32
        %dma_start3A_965 = tpu.memref_slice %arg2[%add3A_949, %dma_start3A_964] : memref<320000x128xf32, #tpu.memory_space<hbm>> -> memref<64x128xf32, #tpu.memory_space<hbm>>
        tpu.enqueue_dma source(%dma_start3A_965 : memref<64x128xf32, #tpu.memory_space<hbm>>) target(%dma_start3A_963 : memref<64x128xf32, #tpu.memory_space<vmem>>) target_semaphore(%dma_start3A_959 : memref<!tpu.dma_semaphore, #tpu.memory_space<semaphore_mem>>)
        %dma_start3A_966 = arith.constant 0 : i32
        %dma_start3A_967 = arith.constant 0 : i32
        %dma_start3A_968 = arith.constant 0 : i32
        %dma_start3A_969 = tpu.memref_slice %arg7[%dma_start3A_966, %dma_start3A_968] : memref<4x64xi32, #tpu.memory_space<vmem>> -> memref<1x64xi32, #tpu.memory_space<vmem>>
        %dma_start3A_970 = tpu.memref_squeeze %dma_start3A_969 : memref<1x64xi32, #tpu.memory_space<vmem>> -> memref<64xi32, #tpu.memory_space<vmem>>
        %dma_start3A_971 = tpu.memref_slice %arg3[%add3A_949] : memref<320000xi32, #tpu.memory_space<hbm>> -> memref<64xi32, #tpu.memory_space<hbm>>
        %dma_start3A_972 = tpu.memref_slice %arg11[%dma_start3A_967] : memref<4x!tpu.dma_semaphore, #tpu.memory_space<semaphore_mem>> -> memref<1x!tpu.dma_semaphore, #tpu.memory_space<semaphore_mem>>
        %dma_start3A_973 = tpu.memref_squeeze %dma_start3A_972 : memref<1x!tpu.dma_semaphore, #tpu.memory_space<semaphore_mem>> -> memref<!tpu.dma_semaphore, #tpu.memory_space<semaphore_mem>>
        %dma_start3A_974 = arith.constant 0 : i32
        %dma_start3A_975 = tpu.memref_slice %arg7[%dma_start3A_966, %dma_start3A_974] : memref<4x64xi32, #tpu.memory_space<vmem>> -> memref<1x64xi32, #tpu.memory_space<vmem>>
        %dma_start3A_976 = tpu.memref_squeeze %dma_start3A_975 : memref<1x64xi32, #tpu.memory_space<vmem>> -> memref<64xi32, #tpu.memory_space<vmem>>
        %dma_start3A_977 = tpu.memref_slice %arg3[%add3A_949] : memref<320000xi32, #tpu.memory_space<hbm>> -> memref<64xi32, #tpu.memory_space<hbm>>
        tpu.enqueue_dma source(%dma_start3A_977 : memref<64xi32, #tpu.memory_space<hbm>>) target(%dma_start3A_976 : memref<64xi32, #tpu.memory_space<vmem>>) target_semaphore(%dma_start3A_973 : memref<!tpu.dma_semaphore, #tpu.memory_space<semaphore_mem>>)
      } else {
      }
      %mul3A_737 = arith.constant 4 : i32
      %mul3A_738 = arith.muli %scan3A_534, %mul3A_737 : i32
      %add3A_739 = arith.constant 2 : i32
      %add3A_740 = arith.addi %mul3A_738, %add3A_739 : i32
      %mul3A_741 = arith.constant 64 : i32
      %mul3A_742 = arith.muli %add3A_740, %mul3A_741 : i32
      %add3A_743 = arith.addi %mul3A_2, %mul3A_742 : i32
      %dma_wait3A_744 = arith.constant 2 : i32
      %dma_wait3A_745 = arith.constant 2 : i32
      %dma_wait3A_746 = arith.constant 0 : i32
      %dma_wait3A_747 = arith.constant 0 : i32
      %dma_wait3A_748 = tpu.memref_slice %arg6[%dma_wait3A_744, %dma_wait3A_746, %dma_wait3A_747] : memref<4x64x128xf32, #tpu.memory_space<vmem>> -> memref<1x64x128xf32, #tpu.memory_space<vmem>>
      %dma_wait3A_749 = tpu.memref_squeeze %dma_wait3A_748 : memref<1x64x128xf32, #tpu.memory_space<vmem>> -> memref<64x128xf32, #tpu.memory_space<vmem>>
      %dma_wait3A_750 = arith.constant 0 : i32
      %dma_wait3A_751 = tpu.memref_slice %arg2[%add3A_743, %dma_wait3A_750] : memref<320000x128xf32, #tpu.memory_space<hbm>> -> memref<64x128xf32, #tpu.memory_space<hbm>>
      %dma_wait3A_752 = tpu.memref_slice %arg10[%dma_wait3A_745] : memref<4x!tpu.dma_semaphore, #tpu.memory_space<semaphore_mem>> -> memref<1x!tpu.dma_semaphore, #tpu.memory_space<semaphore_mem>>
      %dma_wait3A_753 = tpu.memref_squeeze %dma_wait3A_752 : memref<1x!tpu.dma_semaphore, #tpu.memory_space<semaphore_mem>> -> memref<!tpu.dma_semaphore, #tpu.memory_space<semaphore_mem>>
      %dma_wait3A_754 = arith.constant 0 : i32
      %dma_wait3A_755 = arith.constant 0 : i32
      %dma_wait3A_756 = tpu.memref_slice %arg6[%dma_wait3A_744, %dma_wait3A_754, %dma_wait3A_755] : memref<4x64x128xf32, #tpu.memory_space<vmem>> -> memref<1x64x128xf32, #tpu.memory_space<vmem>>
      %dma_wait3A_757 = tpu.memref_squeeze %dma_wait3A_756 : memref<1x64x128xf32, #tpu.memory_space<vmem>> -> memref<64x128xf32, #tpu.memory_space<vmem>>
      %dma_wait3A_758 = arith.constant 0 : i32
      %dma_wait3A_759 = tpu.memref_slice %arg2[%add3A_743, %dma_wait3A_758] : memref<320000x128xf32, #tpu.memory_space<hbm>> -> memref<64x128xf32, #tpu.memory_space<hbm>>
      tpu.wait_dma2 semaphore(%dma_wait3A_753 : memref<!tpu.dma_semaphore, #tpu.memory_space<semaphore_mem>>) src(%dma_wait3A_759 : memref<64x128xf32, #tpu.memory_space<hbm>>) dst(%dma_wait3A_757 : memref<64x128xf32, #tpu.memory_space<vmem>>)
      %dma_wait3A_760 = arith.constant 2 : i32
      %dma_wait3A_761 = arith.constant 2 : i32
      %dma_wait3A_762 = arith.constant 0 : i32
      %dma_wait3A_763 = tpu.memref_slice %arg7[%dma_wait3A_760, %dma_wait3A_762] : memref<4x64xi32, #tpu.memory_space<vmem>> -> memref<1x64xi32, #tpu.memory_space<vmem>>
      %dma_wait3A_764 = tpu.memref_squeeze %dma_wait3A_763 : memref<1x64xi32, #tpu.memory_space<vmem>> -> memref<64xi32, #tpu.memory_space<vmem>>
      %dma_wait3A_765 = tpu.memref_slice %arg3[%add3A_743] : memref<320000xi32, #tpu.memory_space<hbm>> -> memref<64xi32, #tpu.memory_space<hbm>>
      %dma_wait3A_766 = tpu.memref_slice %arg11[%dma_wait3A_761] : memref<4x!tpu.dma_semaphore, #tpu.memory_space<semaphore_mem>> -> memref<1x!tpu.dma_semaphore, #tpu.memory_space<semaphore_mem>>
      %dma_wait3A_767 = tpu.memref_squeeze %dma_wait3A_766 : memref<1x!tpu.dma_semaphore, #tpu.memory_space<semaphore_mem>> -> memref<!tpu.dma_semaphore, #tpu.memory_space<semaphore_mem>>
      %dma_wait3A_768 = arith.constant 0 : i32
      %dma_wait3A_769 = tpu.memref_slice %arg7[%dma_wait3A_760, %dma_wait3A_768] : memref<4x64xi32, #tpu.memory_space<vmem>> -> memref<1x64xi32, #tpu.memory_space<vmem>>
      %dma_wait3A_770 = tpu.memref_squeeze %dma_wait3A_769 : memref<1x64xi32, #tpu.memory_space<vmem>> -> memref<64xi32, #tpu.memory_space<vmem>>
      %dma_wait3A_771 = tpu.memref_slice %arg3[%add3A_743] : memref<320000xi32, #tpu.memory_space<hbm>> -> memref<64xi32, #tpu.memory_space<hbm>>
      tpu.wait_dma2 semaphore(%dma_wait3A_767 : memref<!tpu.dma_semaphore, #tpu.memory_space<semaphore_mem>>) src(%dma_wait3A_771 : memref<64xi32, #tpu.memory_space<hbm>>) dst(%dma_wait3A_770 : memref<64xi32, #tpu.memory_space<vmem>>)
      %get3A_772 = arith.constant 2 : i32
      %get3A_773 = arith.index_cast %get3A_772 : i32 to index
      %get3A_774 = arith.constant 0 : index
      %get3A_775 = tpu.vector_load %arg7[%get3A_773, %get3A_774] {strides = array<i32>} : memref<4x64xi32, #tpu.memory_space<vmem>>, vector<16xi32>,
      %broadcast_in_dim3A_776 = arith.constant true
      %broadcast_in_dim3A_777 = vector.broadcast %broadcast_in_dim3A_776 : i1 to vector<16xi1>
      %unique3A_778, %unique3A_779 = tpu.scan_count mask(%broadcast_in_dim3A_777 : vector<16xi1>) value(%get3A_775 : vector<16xi32>) : vector<16xi1>, vector<16xi32>
      %convert_element_type3A_780 = arith.sitofp %unique3A_779 : vector<16xi32> to vector<16xf32>
      tpu.vector_store_idx %arg9[%get3A_775], %convert_element_type3A_780 masked %unique3A_778 {add = true} : memref<10000xf32, #tpu.memory_space<vmem>>[vector<16xi32>], vector<16xf32>, vector<16xi1>
      %get3A_781 = arith.constant 2 : i32
      %get3A_782 = arith.index_cast %get3A_781 : i32 to index
      %get3A_783 = arith.constant 16 : index
      %get3A_784 = tpu.vector_load %arg7[%get3A_782, %get3A_783] {strides = array<i32>} : memref<4x64xi32, #tpu.memory_space<vmem>>, vector<16xi32>,
      %broadcast_in_dim3A_785 = arith.constant true
      %broadcast_in_dim3A_786 = vector.broadcast %broadcast_in_dim3A_785 : i1 to vector<16xi1>
      %unique3A_787, %unique3A_788 = tpu.scan_count mask(%broadcast_in_dim3A_786 : vector<16xi1>) value(%get3A_784 : vector<16xi32>) : vector<16xi1>, vector<16xi32>
      %convert_element_type3A_789 = arith.sitofp %unique3A_788 : vector<16xi32> to vector<16xf32>
      tpu.vector_store_idx %arg9[%get3A_784], %convert_element_type3A_789 masked %unique3A_787 {add = true} : memref<10000xf32, #tpu.memory_space<vmem>>[vector<16xi32>], vector<16xf32>, vector<16xi1>
      %get3A_790 = arith.constant 2 : i32
      %get3A_791 = arith.index_cast %get3A_790 : i32 to index
      %get3A_792 = arith.constant 32 : index
      %get3A_793 = tpu.vector_load %arg7[%get3A_791, %get3A_792] {strides = array<i32>} : memref<4x64xi32, #tpu.memory_space<vmem>>, vector<16xi32>,
      %broadcast_in_dim3A_794 = arith.constant true
      %broadcast_in_dim3A_795 = vector.broadcast %broadcast_in_dim3A_794 : i1 to vector<16xi1>
      %unique3A_796, %unique3A_797 = tpu.scan_count mask(%broadcast_in_dim3A_795 : vector<16xi1>) value(%get3A_793 : vector<16xi32>) : vector<16xi1>, vector<16xi32>
      %convert_element_type3A_798 = arith.sitofp %unique3A_797 : vector<16xi32> to vector<16xf32>
      tpu.vector_store_idx %arg9[%get3A_793], %convert_element_type3A_798 masked %unique3A_796 {add = true} : memref<10000xf32, #tpu.memory_space<vmem>>[vector<16xi32>], vector<16xf32>, vector<16xi1>
      %get3A_799 = arith.constant 2 : i32
      %get3A_800 = arith.index_cast %get3A_799 : i32 to index
      %get3A_801 = arith.constant 48 : index
      %get3A_802 = tpu.vector_load %arg7[%get3A_800, %get3A_801] {strides = array<i32>} : memref<4x64xi32, #tpu.memory_space<vmem>>, vector<16xi32>,
      %broadcast_in_dim3A_803 = arith.constant true
      %broadcast_in_dim3A_804 = vector.broadcast %broadcast_in_dim3A_803 : i1 to vector<16xi1>
      %unique3A_805, %unique3A_806 = tpu.scan_count mask(%broadcast_in_dim3A_804 : vector<16xi1>) value(%get3A_802 : vector<16xi32>) : vector<16xi1>, vector<16xi32>
      %convert_element_type3A_807 = arith.sitofp %unique3A_806 : vector<16xi32> to vector<16xf32>
      tpu.vector_store_idx %arg9[%get3A_802], %convert_element_type3A_807 masked %unique3A_805 {add = true} : memref<10000xf32, #tpu.memory_space<vmem>>[vector<16xi32>], vector<16xf32>, vector<16xi1>
      %dma_start3A_808 = arith.constant 2 : i32
      %dma_start3A_809 = arith.constant 2 : i32
      %dma_start3A_810 = arith.constant 2 : i32
      %dma_start3A_811 = arith.constant 0 : i32
      %dma_start3A_812 = arith.constant 0 : i32
      %dma_start3A_813 = tpu.memref_slice %arg6[%dma_start3A_808, %dma_start3A_811, %dma_start3A_812] : memref<4x64x128xf32, #tpu.memory_space<vmem>> -> memref<1x64x128xf32, #tpu.memory_space<vmem>>
      %dma_start3A_814 = tpu.memref_squeeze %dma_start3A_813 : memref<1x64x128xf32, #tpu.memory_space<vmem>> -> memref<64x128xf32, #tpu.memory_space<vmem>>
      %dma_start3A_815 = arith.constant 0 : i32
      %dma_start3A_816 = tpu.memref_slice %arg7[%dma_start3A_809, %dma_start3A_815] : memref<4x64xi32, #tpu.memory_space<vmem>> -> memref<1x64xi32, #tpu.memory_space<vmem>>
      %dma_start3A_817 = tpu.memref_squeeze %dma_start3A_816 : memref<1x64xi32, #tpu.memory_space<vmem>> -> memref<64xi32, #tpu.memory_space<vmem>>
      %dma_start3A_818 = arith.constant 0 : i32
      %dma_start3A_819 = arith.constant 0 : i32
      %dma_start3A_820 = tpu.memref_slice %arg13[%dma_start3A_818, %dma_start3A_819] : memref<10000x128xf32, #tpu.memory_space<vmem_shared>> -> memref<10000x128xf32, #tpu.memory_space<vmem_shared>>
      %dma_start3A_821 = tpu.memref_slice %arg12[%dma_start3A_810] : memref<4x!tpu.dma_semaphore, #tpu.memory_space<semaphore_mem>> -> memref<1x!tpu.dma_semaphore, #tpu.memory_space<semaphore_mem>>
      %dma_start3A_822 = tpu.memref_squeeze %dma_start3A_821 : memref<1x!tpu.dma_semaphore, #tpu.memory_space<semaphore_mem>> -> memref<!tpu.dma_semaphore, #tpu.memory_space<semaphore_mem>>
      tpu.enqueue_indirect_dma source(%dma_start3A_814 : memref<64x128xf32, #tpu.memory_space<vmem>>) target(%dma_start3A_820 : memref<10000x128xf32, #tpu.memory_space<vmem_shared>>) offsets(%dma_start3A_817 : memref<64xi32, #tpu.memory_space<vmem>>) semaphore(%dma_start3A_822 : memref<!tpu.dma_semaphore, #tpu.memory_space<semaphore_mem>>) {add = true}
      %ge3A_823 = arith.constant 1 : i32
      %ge3A_824 = arith.cmpi sge, %add3A_740, %ge3A_823 : i32
      %convert_element_type3A_825 = arith.extui %ge3A_824 : i1 to i32
      %cond3A_826 = arith.constant 0 : i32
      %cond3A_827 = arith.cmpi ne, %convert_element_type3A_825, %cond3A_826 : i32
      scf.if %cond3A_827 {
        %dma_wait3A_943 = arith.constant 1 : i32
        %dma_wait3A_944 = arith.constant 1 : i32
        %dma_wait3A_945 = arith.constant 1 : i32
        %dma_wait3A_946 = arith.constant 0 : i32
        %dma_wait3A_947 = arith.constant 0 : i32
        %dma_wait3A_948 = tpu.memref_slice %arg6[%dma_wait3A_943, %dma_wait3A_946, %dma_wait3A_947] : memref<4x64x128xf32, #tpu.memory_space<vmem>> -> memref<1x64x128xf32, #tpu.memory_space<vmem>>
        %dma_wait3A_949 = tpu.memref_squeeze %dma_wait3A_948 : memref<1x64x128xf32, #tpu.memory_space<vmem>> -> memref<64x128xf32, #tpu.memory_space<vmem>>
        %dma_wait3A_950 = arith.constant 0 : i32
        %dma_wait3A_951 = tpu.memref_slice %arg7[%dma_wait3A_944, %dma_wait3A_950] : memref<4x64xi32, #tpu.memory_space<vmem>> -> memref<1x64xi32, #tpu.memory_space<vmem>>
        %dma_wait3A_952 = tpu.memref_squeeze %dma_wait3A_951 : memref<1x64xi32, #tpu.memory_space<vmem>> -> memref<64xi32, #tpu.memory_space<vmem>>
        %dma_wait3A_953 = arith.constant 0 : i32
        %dma_wait3A_954 = arith.constant 0 : i32
        %dma_wait3A_955 = tpu.memref_slice %arg13[%dma_wait3A_953, %dma_wait3A_954] : memref<10000x128xf32, #tpu.memory_space<vmem_shared>> -> memref<10000x128xf32, #tpu.memory_space<vmem_shared>>
        %dma_wait3A_956 = tpu.memref_slice %arg12[%dma_wait3A_945] : memref<4x!tpu.dma_semaphore, #tpu.memory_space<semaphore_mem>> -> memref<1x!tpu.dma_semaphore, #tpu.memory_space<semaphore_mem>>
        %dma_wait3A_957 = tpu.memref_squeeze %dma_wait3A_956 : memref<1x!tpu.dma_semaphore, #tpu.memory_space<semaphore_mem>> -> memref<!tpu.dma_semaphore, #tpu.memory_space<semaphore_mem>>
        tpu.wait_indirect_dma semaphore(%dma_wait3A_957 : memref<!tpu.dma_semaphore, #tpu.memory_space<semaphore_mem>>) src(%dma_wait3A_949 : memref<64x128xf32, #tpu.memory_space<vmem>>) dst(%dma_wait3A_955 : memref<10000x128xf32, #tpu.memory_space<vmem_shared>>)
      } else {
      }
      %ge3A_828 = arith.constant 1 : i32
      %ge3A_829 = arith.cmpi sge, %add3A_740, %ge3A_828 : i32
      %add3A_830 = arith.constant 4 : i32
      %add3A_831 = arith.addi %add3A_740, %add3A_830 : i32
      %sub3A_832 = arith.constant 1 : i32
      %sub3A_833 = arith.subi %add3A_831, %sub3A_832 : i32
      %lt3A_834 = arith.constant 156 : i32
      %lt3A_835 = arith.cmpi slt, %sub3A_833, %lt3A_834 : i32
      %and3A_836 = arith.andi %ge3A_829, %lt3A_835 : i1
      %convert_element_type3A_837 = arith.extui %and3A_836 : i1 to i32
      %cond3A_838 = arith.constant 0 : i32
      %cond3A_839 = arith.cmpi ne, %convert_element_type3A_837, %cond3A_838 : i32
      scf.if %cond3A_839 {
        %add3A_943 = arith.constant 4 : i32
        %add3A_944 = arith.addi %add3A_740, %add3A_943 : i32
        %sub3A_945 = arith.constant 1 : i32
        %sub3A_946 = arith.subi %add3A_944, %sub3A_945 : i32
        %mul3A_947 = arith.constant 64 : i32
        %mul3A_948 = arith.muli %sub3A_946, %mul3A_947 : i32
        %add3A_949 = arith.addi %mul3A_2, %mul3A_948 : i32
        %dma_start3A_950 = arith.constant 1 : i32
        %dma_start3A_951 = arith.constant 1 : i32
        %dma_start3A_952 = arith.constant 0 : i32
        %dma_start3A_953 = arith.constant 0 : i32
        %dma_start3A_954 = tpu.memref_slice %arg6[%dma_start3A_950, %dma_start3A_952, %dma_start3A_953] : memref<4x64x128xf32, #tpu.memory_space<vmem>> -> memref<1x64x128xf32, #tpu.memory_space<vmem>>
        %dma_start3A_955 = tpu.memref_squeeze %dma_start3A_954 : memref<1x64x128xf32, #tpu.memory_space<vmem>> -> memref<64x128xf32, #tpu.memory_space<vmem>>
        %dma_start3A_956 = arith.constant 0 : i32
        %dma_start3A_957 = tpu.memref_slice %arg2[%add3A_949, %dma_start3A_956] : memref<320000x128xf32, #tpu.memory_space<hbm>> -> memref<64x128xf32, #tpu.memory_space<hbm>>
        %dma_start3A_958 = tpu.memref_slice %arg10[%dma_start3A_951] : memref<4x!tpu.dma_semaphore, #tpu.memory_space<semaphore_mem>> -> memref<1x!tpu.dma_semaphore, #tpu.memory_space<semaphore_mem>>
        %dma_start3A_959 = tpu.memref_squeeze %dma_start3A_958 : memref<1x!tpu.dma_semaphore, #tpu.memory_space<semaphore_mem>> -> memref<!tpu.dma_semaphore, #tpu.memory_space<semaphore_mem>>
        %dma_start3A_960 = arith.constant 0 : i32
        %dma_start3A_961 = arith.constant 0 : i32
        %dma_start3A_962 = tpu.memref_slice %arg6[%dma_start3A_950, %dma_start3A_960, %dma_start3A_961] : memref<4x64x128xf32, #tpu.memory_space<vmem>> -> memref<1x64x128xf32, #tpu.memory_space<vmem>>
        %dma_start3A_963 = tpu.memref_squeeze %dma_start3A_962 : memref<1x64x128xf32, #tpu.memory_space<vmem>> -> memref<64x128xf32, #tpu.memory_space<vmem>>
        %dma_start3A_964 = arith.constant 0 : i32
        %dma_start3A_965 = tpu.memref_slice %arg2[%add3A_949, %dma_start3A_964] : memref<320000x128xf32, #tpu.memory_space<hbm>> -> memref<64x128xf32, #tpu.memory_space<hbm>>
        tpu.enqueue_dma source(%dma_start3A_965 : memref<64x128xf32, #tpu.memory_space<hbm>>) target(%dma_start3A_963 : memref<64x128xf32, #tpu.memory_space<vmem>>) target_semaphore(%dma_start3A_959 : memref<!tpu.dma_semaphore, #tpu.memory_space<semaphore_mem>>)
        %dma_start3A_966 = arith.constant 1 : i32
        %dma_start3A_967 = arith.constant 1 : i32
        %dma_start3A_968 = arith.constant 0 : i32
        %dma_start3A_969 = tpu.memref_slice %arg7[%dma_start3A_966, %dma_start3A_968] : memref<4x64xi32, #tpu.memory_space<vmem>> -> memref<1x64xi32, #tpu.memory_space<vmem>>
        %dma_start3A_970 = tpu.memref_squeeze %dma_start3A_969 : memref<1x64xi32, #tpu.memory_space<vmem>> -> memref<64xi32, #tpu.memory_space<vmem>>
        %dma_start3A_971 = tpu.memref_slice %arg3[%add3A_949] : memref<320000xi32, #tpu.memory_space<hbm>> -> memref<64xi32, #tpu.memory_space<hbm>>
        %dma_start3A_972 = tpu.memref_slice %arg11[%dma_start3A_967] : memref<4x!tpu.dma_semaphore, #tpu.memory_space<semaphore_mem>> -> memref<1x!tpu.dma_semaphore, #tpu.memory_space<semaphore_mem>>
        %dma_start3A_973 = tpu.memref_squeeze %dma_start3A_972 : memref<1x!tpu.dma_semaphore, #tpu.memory_space<semaphore_mem>> -> memref<!tpu.dma_semaphore, #tpu.memory_space<semaphore_mem>>
        %dma_start3A_974 = arith.constant 0 : i32
        %dma_start3A_975 = tpu.memref_slice %arg7[%dma_start3A_966, %dma_start3A_974] : memref<4x64xi32, #tpu.memory_space<vmem>> -> memref<1x64xi32, #tpu.memory_space<vmem>>
        %dma_start3A_976 = tpu.memref_squeeze %dma_start3A_975 : memref<1x64xi32, #tpu.memory_space<vmem>> -> memref<64xi32, #tpu.memory_space<vmem>>
        %dma_start3A_977 = tpu.memref_slice %arg3[%add3A_949] : memref<320000xi32, #tpu.memory_space<hbm>> -> memref<64xi32, #tpu.memory_space<hbm>>
        tpu.enqueue_dma source(%dma_start3A_977 : memref<64xi32, #tpu.memory_space<hbm>>) target(%dma_start3A_976 : memref<64xi32, #tpu.memory_space<vmem>>) target_semaphore(%dma_start3A_973 : memref<!tpu.dma_semaphore, #tpu.memory_space<semaphore_mem>>)
      } else {
      }
      %mul3A_840 = arith.constant 4 : i32
      %mul3A_841 = arith.muli %scan3A_534, %mul3A_840 : i32
      %add3A_842 = arith.constant 3 : i32
      %add3A_843 = arith.addi %mul3A_841, %add3A_842 : i32
      %mul3A_844 = arith.constant 64 : i32
      %mul3A_845 = arith.muli %add3A_843, %mul3A_844 : i32
      %add3A_846 = arith.addi %mul3A_2, %mul3A_845 : i32
      %dma_wait3A_847 = arith.constant 3 : i32
      %dma_wait3A_848 = arith.constant 3 : i32
      %dma_wait3A_849 = arith.constant 0 : i32
      %dma_wait3A_850 = arith.constant 0 : i32
      %dma_wait3A_851 = tpu.memref_slice %arg6[%dma_wait3A_847, %dma_wait3A_849, %dma_wait3A_850] : memref<4x64x128xf32, #tpu.memory_space<vmem>> -> memref<1x64x128xf32, #tpu.memory_space<vmem>>
      %dma_wait3A_852 = tpu.memref_squeeze %dma_wait3A_851 : memref<1x64x128xf32, #tpu.memory_space<vmem>> -> memref<64x128xf32, #tpu.memory_space<vmem>>
      %dma_wait3A_853 = arith.constant 0 : i32
      %dma_wait3A_854 = tpu.memref_slice %arg2[%add3A_846, %dma_wait3A_853] : memref<320000x128xf32, #tpu.memory_space<hbm>> -> memref<64x128xf32, #tpu.memory_space<hbm>>
      %dma_wait3A_855 = tpu.memref_slice %arg10[%dma_wait3A_848] : memref<4x!tpu.dma_semaphore, #tpu.memory_space<semaphore_mem>> -> memref<1x!tpu.dma_semaphore, #tpu.memory_space<semaphore_mem>>
      %dma_wait3A_856 = tpu.memref_squeeze %dma_wait3A_855 : memref<1x!tpu.dma_semaphore, #tpu.memory_space<semaphore_mem>> -> memref<!tpu.dma_semaphore, #tpu.memory_space<semaphore_mem>>
      %dma_wait3A_857 = arith.constant 0 : i32
      %dma_wait3A_858 = arith.constant 0 : i32
      %dma_wait3A_859 = tpu.memref_slice %arg6[%dma_wait3A_847, %dma_wait3A_857, %dma_wait3A_858] : memref<4x64x128xf32, #tpu.memory_space<vmem>> -> memref<1x64x128xf32, #tpu.memory_space<vmem>>
      %dma_wait3A_860 = tpu.memref_squeeze %dma_wait3A_859 : memref<1x64x128xf32, #tpu.memory_space<vmem>> -> memref<64x128xf32, #tpu.memory_space<vmem>>
      %dma_wait3A_861 = arith.constant 0 : i32
      %dma_wait3A_862 = tpu.memref_slice %arg2[%add3A_846, %dma_wait3A_861] : memref<320000x128xf32, #tpu.memory_space<hbm>> -> memref<64x128xf32, #tpu.memory_space<hbm>>
      tpu.wait_dma2 semaphore(%dma_wait3A_856 : memref<!tpu.dma_semaphore, #tpu.memory_space<semaphore_mem>>) src(%dma_wait3A_862 : memref<64x128xf32, #tpu.memory_space<hbm>>) dst(%dma_wait3A_860 : memref<64x128xf32, #tpu.memory_space<vmem>>)
      %dma_wait3A_863 = arith.constant 3 : i32
      %dma_wait3A_864 = arith.constant 3 : i32
      %dma_wait3A_865 = arith.constant 0 : i32
      %dma_wait3A_866 = tpu.memref_slice %arg7[%dma_wait3A_863, %dma_wait3A_865] : memref<4x64xi32, #tpu.memory_space<vmem>> -> memref<1x64xi32, #tpu.memory_space<vmem>>
      %dma_wait3A_867 = tpu.memref_squeeze %dma_wait3A_866 : memref<1x64xi32, #tpu.memory_space<vmem>> -> memref<64xi32, #tpu.memory_space<vmem>>
      %dma_wait3A_868 = tpu.memref_slice %arg3[%add3A_846] : memref<320000xi32, #tpu.memory_space<hbm>> -> memref<64xi32, #tpu.memory_space<hbm>>
      %dma_wait3A_869 = tpu.memref_slice %arg11[%dma_wait3A_864] : memref<4x!tpu.dma_semaphore, #tpu.memory_space<semaphore_mem>> -> memref<1x!tpu.dma_semaphore, #tpu.memory_space<semaphore_mem>>
      %dma_wait3A_870 = tpu.memref_squeeze %dma_wait3A_869 : memref<1x!tpu.dma_semaphore, #tpu.memory_space<semaphore_mem>> -> memref<!tpu.dma_semaphore, #tpu.memory_space<semaphore_mem>>
      %dma_wait3A_871 = arith.constant 0 : i32
      %dma_wait3A_872 = tpu.memref_slice %arg7[%dma_wait3A_863, %dma_wait3A_871] : memref<4x64xi32, #tpu.memory_space<vmem>> -> memref<1x64xi32, #tpu.memory_space<vmem>>
      %dma_wait3A_873 = tpu.memref_squeeze %dma_wait3A_872 : memref<1x64xi32, #tpu.memory_space<vmem>> -> memref<64xi32, #tpu.memory_space<vmem>>
      %dma_wait3A_874 = tpu.memref_slice %arg3[%add3A_846] : memref<320000xi32, #tpu.memory_space<hbm>> -> memref<64xi32, #tpu.memory_space<hbm>>
      tpu.wait_dma2 semaphore(%dma_wait3A_870 : memref<!tpu.dma_semaphore, #tpu.memory_space<semaphore_mem>>) src(%dma_wait3A_874 : memref<64xi32, #tpu.memory_space<hbm>>) dst(%dma_wait3A_873 : memref<64xi32, #tpu.memory_space<vmem>>)
      %get3A_875 = arith.constant 3 : i32
      %get3A_876 = arith.index_cast %get3A_875 : i32 to index
      %get3A_877 = arith.constant 0 : index
      %get3A_878 = tpu.vector_load %arg7[%get3A_876, %get3A_877] {strides = array<i32>} : memref<4x64xi32, #tpu.memory_space<vmem>>, vector<16xi32>,
      %broadcast_in_dim3A_879 = arith.constant true
      %broadcast_in_dim3A_880 = vector.broadcast %broadcast_in_dim3A_879 : i1 to vector<16xi1>
      %unique3A_881, %unique3A_882 = tpu.scan_count mask(%broadcast_in_dim3A_880 : vector<16xi1>) value(%get3A_878 : vector<16xi32>) : vector<16xi1>, vector<16xi32>
      %convert_element_type3A_883 = arith.sitofp %unique3A_882 : vector<16xi32> to vector<16xf32>
      tpu.vector_store_idx %arg9[%get3A_878], %convert_element_type3A_883 masked %unique3A_881 {add = true} : memref<10000xf32, #tpu.memory_space<vmem>>[vector<16xi32>], vector<16xf32>, vector<16xi1>
      %get3A_884 = arith.constant 3 : i32
      %get3A_885 = arith.index_cast %get3A_884 : i32 to index
      %get3A_886 = arith.constant 16 : index
      %get3A_887 = tpu.vector_load %arg7[%get3A_885, %get3A_886] {strides = array<i32>} : memref<4x64xi32, #tpu.memory_space<vmem>>, vector<16xi32>,
      %broadcast_in_dim3A_888 = arith.constant true
      %broadcast_in_dim3A_889 = vector.broadcast %broadcast_in_dim3A_888 : i1 to vector<16xi1>
      %unique3A_890, %unique3A_891 = tpu.scan_count mask(%broadcast_in_dim3A_889 : vector<16xi1>) value(%get3A_887 : vector<16xi32>) : vector<16xi1>, vector<16xi32>
      %convert_element_type3A_892 = arith.sitofp %unique3A_891 : vector<16xi32> to vector<16xf32>
      tpu.vector_store_idx %arg9[%get3A_887], %convert_element_type3A_892 masked %unique3A_890 {add = true} : memref<10000xf32, #tpu.memory_space<vmem>>[vector<16xi32>], vector<16xf32>, vector<16xi1>
      %get3A_893 = arith.constant 3 : i32
      %get3A_894 = arith.index_cast %get3A_893 : i32 to index
      %get3A_895 = arith.constant 32 : index
      %get3A_896 = tpu.vector_load %arg7[%get3A_894, %get3A_895] {strides = array<i32>} : memref<4x64xi32, #tpu.memory_space<vmem>>, vector<16xi32>,
      %broadcast_in_dim3A_897 = arith.constant true
      %broadcast_in_dim3A_898 = vector.broadcast %broadcast_in_dim3A_897 : i1 to vector<16xi1>
      %unique3A_899, %unique3A_900 = tpu.scan_count mask(%broadcast_in_dim3A_898 : vector<16xi1>) value(%get3A_896 : vector<16xi32>) : vector<16xi1>, vector<16xi32>
      %convert_element_type3A_901 = arith.sitofp %unique3A_900 : vector<16xi32> to vector<16xf32>
      tpu.vector_store_idx %arg9[%get3A_896], %convert_element_type3A_901 masked %unique3A_899 {add = true} : memref<10000xf32, #tpu.memory_space<vmem>>[vector<16xi32>], vector<16xf32>, vector<16xi1>
      %get3A_902 = arith.constant 3 : i32
      %get3A_903 = arith.index_cast %get3A_902 : i32 to index
      %get3A_904 = arith.constant 48 : index
      %get3A_905 = tpu.vector_load %arg7[%get3A_903, %get3A_904] {strides = array<i32>} : memref<4x64xi32, #tpu.memory_space<vmem>>, vector<16xi32>,
      %broadcast_in_dim3A_906 = arith.constant true
      %broadcast_in_dim3A_907 = vector.broadcast %broadcast_in_dim3A_906 : i1 to vector<16xi1>
      %unique3A_908, %unique3A_909 = tpu.scan_count mask(%broadcast_in_dim3A_907 : vector<16xi1>) value(%get3A_905 : vector<16xi32>) : vector<16xi1>, vector<16xi32>
      %convert_element_type3A_910 = arith.sitofp %unique3A_909 : vector<16xi32> to vector<16xf32>
      tpu.vector_store_idx %arg9[%get3A_905], %convert_element_type3A_910 masked %unique3A_908 {add = true} : memref<10000xf32, #tpu.memory_space<vmem>>[vector<16xi32>], vector<16xf32>, vector<16xi1>
      %dma_start3A_911 = arith.constant 3 : i32
      %dma_start3A_912 = arith.constant 3 : i32
      %dma_start3A_913 = arith.constant 3 : i32
      %dma_start3A_914 = arith.constant 0 : i32
      %dma_start3A_915 = arith.constant 0 : i32
      %dma_start3A_916 = tpu.memref_slice %arg6[%dma_start3A_911, %dma_start3A_914, %dma_start3A_915] : memref<4x64x128xf32, #tpu.memory_space<vmem>> -> memref<1x64x128xf32, #tpu.memory_space<vmem>>
      %dma_start3A_917 = tpu.memref_squeeze %dma_start3A_916 : memref<1x64x128xf32, #tpu.memory_space<vmem>> -> memref<64x128xf32, #tpu.memory_space<vmem>>
      %dma_start3A_918 = arith.constant 0 : i32
      %dma_start3A_919 = tpu.memref_slice %arg7[%dma_start3A_912, %dma_start3A_918] : memref<4x64xi32, #tpu.memory_space<vmem>> -> memref<1x64xi32, #tpu.memory_space<vmem>>
      %dma_start3A_920 = tpu.memref_squeeze %dma_start3A_919 : memref<1x64xi32, #tpu.memory_space<vmem>> -> memref<64xi32, #tpu.memory_space<vmem>>
      %dma_start3A_921 = arith.constant 0 : i32
      %dma_start3A_922 = arith.constant 0 : i32
      %dma_start3A_923 = tpu.memref_slice %arg13[%dma_start3A_921, %dma_start3A_922] : memref<10000x128xf32, #tpu.memory_space<vmem_shared>> -> memref<10000x128xf32, #tpu.memory_space<vmem_shared>>
      %dma_start3A_924 = tpu.memref_slice %arg12[%dma_start3A_913] : memref<4x!tpu.dma_semaphore, #tpu.memory_space<semaphore_mem>> -> memref<1x!tpu.dma_semaphore, #tpu.memory_space<semaphore_mem>>
      %dma_start3A_925 = tpu.memref_squeeze %dma_start3A_924 : memref<1x!tpu.dma_semaphore, #tpu.memory_space<semaphore_mem>> -> memref<!tpu.dma_semaphore, #tpu.memory_space<semaphore_mem>>
      tpu.enqueue_indirect_dma source(%dma_start3A_917 : memref<64x128xf32, #tpu.memory_space<vmem>>) target(%dma_start3A_923 : memref<10000x128xf32, #tpu.memory_space<vmem_shared>>) offsets(%dma_start3A_920 : memref<64xi32, #tpu.memory_space<vmem>>) semaphore(%dma_start3A_925 : memref<!tpu.dma_semaphore, #tpu.memory_space<semaphore_mem>>) {add = true}
      %ge3A_926 = arith.constant 1 : i32
      %ge3A_927 = arith.cmpi sge, %add3A_843, %ge3A_926 : i32
      %convert_element_type3A_928 = arith.extui %ge3A_927 : i1 to i32
      %cond3A_929 = arith.constant 0 : i32
      %cond3A_930 = arith.cmpi ne, %convert_element_type3A_928, %cond3A_929 : i32
      scf.if %cond3A_930 {
        %dma_wait3A_943 = arith.constant 2 : i32
        %dma_wait3A_944 = arith.constant 2 : i32
        %dma_wait3A_945 = arith.constant 2 : i32
        %dma_wait3A_946 = arith.constant 0 : i32
        %dma_wait3A_947 = arith.constant 0 : i32
        %dma_wait3A_948 = tpu.memref_slice %arg6[%dma_wait3A_943, %dma_wait3A_946, %dma_wait3A_947] : memref<4x64x128xf32, #tpu.memory_space<vmem>> -> memref<1x64x128xf32, #tpu.memory_space<vmem>>
        %dma_wait3A_949 = tpu.memref_squeeze %dma_wait3A_948 : memref<1x64x128xf32, #tpu.memory_space<vmem>> -> memref<64x128xf32, #tpu.memory_space<vmem>>
        %dma_wait3A_950 = arith.constant 0 : i32
        %dma_wait3A_951 = tpu.memref_slice %arg7[%dma_wait3A_944, %dma_wait3A_950] : memref<4x64xi32, #tpu.memory_space<vmem>> -> memref<1x64xi32, #tpu.memory_space<vmem>>
        %dma_wait3A_952 = tpu.memref_squeeze %dma_wait3A_951 : memref<1x64xi32, #tpu.memory_space<vmem>> -> memref<64xi32, #tpu.memory_space<vmem>>
        %dma_wait3A_953 = arith.constant 0 : i32
        %dma_wait3A_954 = arith.constant 0 : i32
        %dma_wait3A_955 = tpu.memref_slice %arg13[%dma_wait3A_953, %dma_wait3A_954] : memref<10000x128xf32, #tpu.memory_space<vmem_shared>> -> memref<10000x128xf32, #tpu.memory_space<vmem_shared>>
        %dma_wait3A_956 = tpu.memref_slice %arg12[%dma_wait3A_945] : memref<4x!tpu.dma_semaphore, #tpu.memory_space<semaphore_mem>> -> memref<1x!tpu.dma_semaphore, #tpu.memory_space<semaphore_mem>>
        %dma_wait3A_957 = tpu.memref_squeeze %dma_wait3A_956 : memref<1x!tpu.dma_semaphore, #tpu.memory_space<semaphore_mem>> -> memref<!tpu.dma_semaphore, #tpu.memory_space<semaphore_mem>>
        tpu.wait_indirect_dma semaphore(%dma_wait3A_957 : memref<!tpu.dma_semaphore, #tpu.memory_space<semaphore_mem>>) src(%dma_wait3A_949 : memref<64x128xf32, #tpu.memory_space<vmem>>) dst(%dma_wait3A_955 : memref<10000x128xf32, #tpu.memory_space<vmem_shared>>)
      } else {
      }
      %ge3A_931 = arith.constant 1 : i32
      %ge3A_932 = arith.cmpi sge, %add3A_843, %ge3A_931 : i32
      %add3A_933 = arith.constant 4 : i32
      %add3A_934 = arith.addi %add3A_843, %add3A_933 : i32
      %sub3A_935 = arith.constant 1 : i32
      %sub3A_936 = arith.subi %add3A_934, %sub3A_935 : i32
      %lt3A_937 = arith.constant 156 : i32
      %lt3A_938 = arith.cmpi slt, %sub3A_936, %lt3A_937 : i32
      %and3A_939 = arith.andi %ge3A_932, %lt3A_938 : i1
      %convert_element_type3A_940 = arith.extui %and3A_939 : i1 to i32
      %cond3A_941 = arith.constant 0 : i32
      %cond3A_942 = arith.cmpi ne, %convert_element_type3A_940, %cond3A_941 : i32
      scf.if %cond3A_942 {
        %add3A_943 = arith.constant 4 : i32
        %add3A_944 = arith.addi %add3A_843, %add3A_943 : i32
        %sub3A_945 = arith.constant 1 : i32
        %sub3A_946 = arith.subi %add3A_944, %sub3A_945 : i32
        %mul3A_947 = arith.constant 64 : i32
        %mul3A_948 = arith.muli %sub3A_946, %mul3A_947 : i32
        %add3A_949 = arith.addi %mul3A_2, %mul3A_948 : i32
        %dma_start3A_950 = arith.constant 2 : i32
        %dma_start3A_951 = arith.constant 2 : i32
        %dma_start3A_952 = arith.constant 0 : i32
        %dma_start3A_953 = arith.constant 0 : i32
        %dma_start3A_954 = tpu.memref_slice %arg6[%dma_start3A_950, %dma_start3A_952, %dma_start3A_953] : memref<4x64x128xf32, #tpu.memory_space<vmem>> -> memref<1x64x128xf32, #tpu.memory_space<vmem>>
        %dma_start3A_955 = tpu.memref_squeeze %dma_start3A_954 : memref<1x64x128xf32, #tpu.memory_space<vmem>> -> memref<64x128xf32, #tpu.memory_space<vmem>>
        %dma_start3A_956 = arith.constant 0 : i32
        %dma_start3A_957 = tpu.memref_slice %arg2[%add3A_949, %dma_start3A_956] : memref<320000x128xf32, #tpu.memory_space<hbm>> -> memref<64x128xf32, #tpu.memory_space<hbm>>
        %dma_start3A_958 = tpu.memref_slice %arg10[%dma_start3A_951] : memref<4x!tpu.dma_semaphore, #tpu.memory_space<semaphore_mem>> -> memref<1x!tpu.dma_semaphore, #tpu.memory_space<semaphore_mem>>
        %dma_start3A_959 = tpu.memref_squeeze %dma_start3A_958 : memref<1x!tpu.dma_semaphore, #tpu.memory_space<semaphore_mem>> -> memref<!tpu.dma_semaphore, #tpu.memory_space<semaphore_mem>>
        %dma_start3A_960 = arith.constant 0 : i32
        %dma_start3A_961 = arith.constant 0 : i32
        %dma_start3A_962 = tpu.memref_slice %arg6[%dma_start3A_950, %dma_start3A_960, %dma_start3A_961] : memref<4x64x128xf32, #tpu.memory_space<vmem>> -> memref<1x64x128xf32, #tpu.memory_space<vmem>>
        %dma_start3A_963 = tpu.memref_squeeze %dma_start3A_962 : memref<1x64x128xf32, #tpu.memory_space<vmem>> -> memref<64x128xf32, #tpu.memory_space<vmem>>
        %dma_start3A_964 = arith.constant 0 : i32
        %dma_start3A_965 = tpu.memref_slice %arg2[%add3A_949, %dma_start3A_964] : memref<320000x128xf32, #tpu.memory_space<hbm>> -> memref<64x128xf32, #tpu.memory_space<hbm>>
        tpu.enqueue_dma source(%dma_start3A_965 : memref<64x128xf32, #tpu.memory_space<hbm>>) target(%dma_start3A_963 : memref<64x128xf32, #tpu.memory_space<vmem>>) target_semaphore(%dma_start3A_959 : memref<!tpu.dma_semaphore, #tpu.memory_space<semaphore_mem>>)
        %dma_start3A_966 = arith.constant 2 : i32
        %dma_start3A_967 = arith.constant 2 : i32
        %dma_start3A_968 = arith.constant 0 : i32
        %dma_start3A_969 = tpu.memref_slice %arg7[%dma_start3A_966, %dma_start3A_968] : memref<4x64xi32, #tpu.memory_space<vmem>> -> memref<1x64xi32, #tpu.memory_space<vmem>>
        %dma_start3A_970 = tpu.memref_squeeze %dma_start3A_969 : memref<1x64xi32, #tpu.memory_space<vmem>> -> memref<64xi32, #tpu.memory_space<vmem>>
        %dma_start3A_971 = tpu.memref_slice %arg3[%add3A_949] : memref<320000xi32, #tpu.memory_space<hbm>> -> memref<64xi32, #tpu.memory_space<hbm>>
        %dma_start3A_972 = tpu.memref_slice %arg11[%dma_start3A_967] : memref<4x!tpu.dma_semaphore, #tpu.memory_space<semaphore_mem>> -> memref<1x!tpu.dma_semaphore, #tpu.memory_space<semaphore_mem>>
        %dma_start3A_973 = tpu.memref_squeeze %dma_start3A_972 : memref<1x!tpu.dma_semaphore, #tpu.memory_space<semaphore_mem>> -> memref<!tpu.dma_semaphore, #tpu.memory_space<semaphore_mem>>
        %dma_start3A_974 = arith.constant 0 : i32
        %dma_start3A_975 = tpu.memref_slice %arg7[%dma_start3A_966, %dma_start3A_974] : memref<4x64xi32, #tpu.memory_space<vmem>> -> memref<1x64xi32, #tpu.memory_space<vmem>>
        %dma_start3A_976 = tpu.memref_squeeze %dma_start3A_975 : memref<1x64xi32, #tpu.memory_space<vmem>> -> memref<64xi32, #tpu.memory_space<vmem>>
        %dma_start3A_977 = tpu.memref_slice %arg3[%add3A_949] : memref<320000xi32, #tpu.memory_space<hbm>> -> memref<64xi32, #tpu.memory_space<hbm>>
        tpu.enqueue_dma source(%dma_start3A_977 : memref<64xi32, #tpu.memory_space<hbm>>) target(%dma_start3A_976 : memref<64xi32, #tpu.memory_space<vmem>>) target_semaphore(%dma_start3A_973 : memref<!tpu.dma_semaphore, #tpu.memory_space<semaphore_mem>>)
      } else {
      }
    }
    %scan3A_500 = arith.constant 39 : i32
    %dma_wait3A_501 = arith.constant 3 : i32
    %dma_wait3A_502 = arith.constant 3 : i32
    %dma_wait3A_503 = arith.constant 3 : i32
    %dma_wait3A_504 = arith.constant 0 : i32
    %dma_wait3A_505 = arith.constant 0 : i32
    %dma_wait3A_506 = tpu.memref_slice %arg6[%dma_wait3A_501, %dma_wait3A_504, %dma_wait3A_505] : memref<4x64x128xf32, #tpu.memory_space<vmem>> -> memref<1x64x128xf32, #tpu.memory_space<vmem>>
    %dma_wait3A_507 = tpu.memref_squeeze %dma_wait3A_506 : memref<1x64x128xf32, #tpu.memory_space<vmem>> -> memref<64x128xf32, #tpu.memory_space<vmem>>
    %dma_wait3A_508 = arith.constant 0 : i32
    %dma_wait3A_509 = tpu.memref_slice %arg7[%dma_wait3A_502, %dma_wait3A_508] : memref<4x64xi32, #tpu.memory_space<vmem>> -> memref<1x64xi32, #tpu.memory_space<vmem>>
    %dma_wait3A_510 = tpu.memref_squeeze %dma_wait3A_509 : memref<1x64xi32, #tpu.memory_space<vmem>> -> memref<64xi32, #tpu.memory_space<vmem>>
    %dma_wait3A_511 = arith.constant 0 : i32
    %dma_wait3A_512 = arith.constant 0 : i32
    %dma_wait3A_513 = tpu.memref_slice %arg13[%dma_wait3A_511, %dma_wait3A_512] : memref<10000x128xf32, #tpu.memory_space<vmem_shared>> -> memref<10000x128xf32, #tpu.memory_space<vmem_shared>>
    %dma_wait3A_514 = tpu.memref_slice %arg12[%dma_wait3A_503] : memref<4x!tpu.dma_semaphore, #tpu.memory_space<semaphore_mem>> -> memref<1x!tpu.dma_semaphore, #tpu.memory_space<semaphore_mem>>
    %dma_wait3A_515 = tpu.memref_squeeze %dma_wait3A_514 : memref<1x!tpu.dma_semaphore, #tpu.memory_space<semaphore_mem>> -> memref<!tpu.dma_semaphore, #tpu.memory_space<semaphore_mem>>
    tpu.wait_indirect_dma semaphore(%dma_wait3A_515 : memref<!tpu.dma_semaphore, #tpu.memory_space<semaphore_mem>>) src(%dma_wait3A_507 : memref<64x128xf32, #tpu.memory_space<vmem>>) dst(%dma_wait3A_513 : memref<10000x128xf32, #tpu.memory_space<vmem_shared>>)
    %add3A_516 = arith.constant 9984 : i32
    %add3A_517 = arith.addi %mul3A_2, %add3A_516 : i32
    %run_scoped3A = arith.constant 0 : i32
    "tpu.region"() ({
      %run_scoped3A_534 = tpu.sem_alloc : memref<!tpu.dma_semaphore, #tpu.memory_space<semaphore_mem>>
      %dma_start3A_535 = arith.constant 0 : i32
      %dma_start3A_536 = arith.constant 0 : i32
      %dma_start3A_537 = tpu.memref_slice %arg6[%run_scoped3A, %dma_start3A_535, %dma_start3A_536] : memref<4x64x128xf32, #tpu.memory_space<vmem>> -> memref<1x16x128xf32, #tpu.memory_space<vmem>>
      %dma_start3A_538 = tpu.memref_squeeze %dma_start3A_537 : memref<1x16x128xf32, #tpu.memory_space<vmem>> -> memref<16x128xf32, #tpu.memory_space<vmem>>
      %dma_start3A_539 = arith.constant 0 : i32
      %dma_start3A_540 = tpu.memref_slice %arg2[%add3A_517, %dma_start3A_539] : memref<320000x128xf32, #tpu.memory_space<hbm>> -> memref<16x128xf32, #tpu.memory_space<hbm>>
      %dma_start3A_541 = arith.constant 0 : i32
      %dma_start3A_542 = arith.constant 0 : i32
      %dma_start3A_543 = tpu.memref_slice %arg6[%run_scoped3A, %dma_start3A_541, %dma_start3A_542] : memref<4x64x128xf32, #tpu.memory_space<vmem>> -> memref<1x16x128xf32, #tpu.memory_space<vmem>>
      %dma_start3A_544 = tpu.memref_squeeze %dma_start3A_543 : memref<1x16x128xf32, #tpu.memory_space<vmem>> -> memref<16x128xf32, #tpu.memory_space<vmem>>
      %dma_start3A_545 = arith.constant 0 : i32
      %dma_start3A_546 = tpu.memref_slice %arg2[%add3A_517, %dma_start3A_545] : memref<320000x128xf32, #tpu.memory_space<hbm>> -> memref<16x128xf32, #tpu.memory_space<hbm>>
      tpu.enqueue_dma source(%dma_start3A_546 : memref<16x128xf32, #tpu.memory_space<hbm>>) target(%dma_start3A_544 : memref<16x128xf32, #tpu.memory_space<vmem>>) target_semaphore(%run_scoped3A_534 : memref<!tpu.dma_semaphore, #tpu.memory_space<semaphore_mem>>)
      %dma_wait3A_547 = arith.constant 0 : i32
      %dma_wait3A_548 = arith.constant 0 : i32
      %dma_wait3A_549 = tpu.memref_slice %arg6[%run_scoped3A, %dma_wait3A_547, %dma_wait3A_548] : memref<4x64x128xf32, #tpu.memory_space<vmem>> -> memref<1x16x128xf32, #tpu.memory_space<vmem>>
      %dma_wait3A_550 = tpu.memref_squeeze %dma_wait3A_549 : memref<1x16x128xf32, #tpu.memory_space<vmem>> -> memref<16x128xf32, #tpu.memory_space<vmem>>
      %dma_wait3A_551 = arith.constant 0 : i32
      %dma_wait3A_552 = tpu.memref_slice %arg2[%add3A_517, %dma_wait3A_551] : memref<320000x128xf32, #tpu.memory_space<hbm>> -> memref<16x128xf32, #tpu.memory_space<hbm>>
      %dma_wait3A_553 = arith.constant 0 : i32
      %dma_wait3A_554 = arith.constant 0 : i32
      %dma_wait3A_555 = tpu.memref_slice %arg6[%run_scoped3A, %dma_wait3A_553, %dma_wait3A_554] : memref<4x64x128xf32, #tpu.memory_space<vmem>> -> memref<1x16x128xf32, #tpu.memory_space<vmem>>
      %dma_wait3A_556 = tpu.memref_squeeze %dma_wait3A_555 : memref<1x16x128xf32, #tpu.memory_space<vmem>> -> memref<16x128xf32, #tpu.memory_space<vmem>>
      %dma_wait3A_557 = arith.constant 0 : i32
      %dma_wait3A_558 = tpu.memref_slice %arg2[%add3A_517, %dma_wait3A_557] : memref<320000x128xf32, #tpu.memory_space<hbm>> -> memref<16x128xf32, #tpu.memory_space<hbm>>
      tpu.wait_dma2 semaphore(%run_scoped3A_534 : memref<!tpu.dma_semaphore, #tpu.memory_space<semaphore_mem>>) src(%dma_wait3A_558 : memref<16x128xf32, #tpu.memory_space<hbm>>) dst(%dma_wait3A_556 : memref<16x128xf32, #tpu.memory_space<vmem>>)
      tpu.yield
    }) : () -> ()
    "tpu.region"() ({
      %run_scoped3A_534 = tpu.sem_alloc : memref<!tpu.dma_semaphore, #tpu.memory_space<semaphore_mem>>
      %dma_start3A_535 = tpu.memref_slice %arg3[%add3A_517] : memref<320000xi32, #tpu.memory_space<hbm>> -> memref<16xi32, #tpu.memory_space<hbm>>
      %dma_start3A_536 = tpu.memref_slice %arg3[%add3A_517] : memref<320000xi32, #tpu.memory_space<hbm>> -> memref<16xi32, #tpu.memory_space<hbm>>
      tpu.enqueue_dma source(%dma_start3A_536 : memref<16xi32, #tpu.memory_space<hbm>>) target(%arg8 : memref<16xi32, #tpu.memory_space<vmem>>) target_semaphore(%run_scoped3A_534 : memref<!tpu.dma_semaphore, #tpu.memory_space<semaphore_mem>>)
      %dma_wait3A_537 = tpu.memref_slice %arg3[%add3A_517] : memref<320000xi32, #tpu.memory_space<hbm>> -> memref<16xi32, #tpu.memory_space<hbm>>
      %dma_wait3A_538 = tpu.memref_slice %arg3[%add3A_517] : memref<320000xi32, #tpu.memory_space<hbm>> -> memref<16xi32, #tpu.memory_space<hbm>>
      tpu.wait_dma2 semaphore(%run_scoped3A_534 : memref<!tpu.dma_semaphore, #tpu.memory_space<semaphore_mem>>) src(%dma_wait3A_538 : memref<16xi32, #tpu.memory_space<hbm>>) dst(%arg8 : memref<16xi32, #tpu.memory_space<vmem>>)
      tpu.yield
    }) : () -> ()
    %run_scoped3A_518 = arith.constant 0 : i32
    "tpu.region"() ({
      %run_scoped3A_534 = tpu.sem_alloc : memref<!tpu.dma_semaphore, #tpu.memory_space<semaphore_mem>>
      %dma_start3A_535 = arith.constant 0 : i32
      %dma_start3A_536 = arith.constant 0 : i32
      %dma_start3A_537 = tpu.memref_slice %arg6[%run_scoped3A_518, %dma_start3A_535, %dma_start3A_536] : memref<4x64x128xf32, #tpu.memory_space<vmem>> -> memref<1x16x128xf32, #tpu.memory_space<vmem>>
      %dma_start3A_538 = tpu.memref_squeeze %dma_start3A_537 : memref<1x16x128xf32, #tpu.memory_space<vmem>> -> memref<16x128xf32, #tpu.memory_space<vmem>>
      %dma_start3A_539 = arith.constant 0 : i32
      %dma_start3A_540 = arith.constant 0 : i32
      %dma_start3A_541 = tpu.memref_slice %arg13[%dma_start3A_539, %dma_start3A_540] : memref<10000x128xf32, #tpu.memory_space<vmem_shared>> -> memref<10000x128xf32, #tpu.memory_space<vmem_shared>>
      tpu.enqueue_indirect_dma source(%dma_start3A_538 : memref<16x128xf32, #tpu.memory_space<vmem>>) target(%dma_start3A_541 : memref<10000x128xf32, #tpu.memory_space<vmem_shared>>) offsets(%arg8 : memref<16xi32, #tpu.memory_space<vmem>>) semaphore(%run_scoped3A_534 : memref<!tpu.dma_semaphore, #tpu.memory_space<semaphore_mem>>) {add = true}
      %dma_wait3A_542 = arith.constant 0 : i32
      %dma_wait3A_543 = arith.constant 0 : i32
      %dma_wait3A_544 = tpu.memref_slice %arg6[%run_scoped3A_518, %dma_wait3A_542, %dma_wait3A_543] : memref<4x64x128xf32, #tpu.memory_space<vmem>> -> memref<1x16x128xf32, #tpu.memory_space<vmem>>
      %dma_wait3A_545 = tpu.memref_squeeze %dma_wait3A_544 : memref<1x16x128xf32, #tpu.memory_space<vmem>> -> memref<16x128xf32, #tpu.memory_space<vmem>>
      %dma_wait3A_546 = arith.constant 0 : i32
      %dma_wait3A_547 = arith.constant 0 : i32
      %dma_wait3A_548 = tpu.memref_slice %arg13[%dma_wait3A_546, %dma_wait3A_547] : memref<10000x128xf32, #tpu.memory_space<vmem_shared>> -> memref<10000x128xf32, #tpu.memory_space<vmem_shared>>
      tpu.wait_indirect_dma semaphore(%run_scoped3A_534 : memref<!tpu.dma_semaphore, #tpu.memory_space<semaphore_mem>>) src(%dma_wait3A_545 : memref<16x128xf32, #tpu.memory_space<vmem>>) dst(%dma_wait3A_548 : memref<10000x128xf32, #tpu.memory_space<vmem_shared>>)
      tpu.yield
    }) : () -> ()
    %get3A = arith.constant 0 : index
    %get3A_519 = tpu.vector_load %arg8[%get3A] {strides = array<i32>} : memref<16xi32, #tpu.memory_space<vmem>>, vector<16xi32>,
    %broadcast_in_dim3A_520 = arith.constant true
    %broadcast_in_dim3A_521 = vector.broadcast %broadcast_in_dim3A_520 : i1 to vector<16xi1>
    %unique3A, %unique3A_522 = tpu.scan_count mask(%broadcast_in_dim3A_521 : vector<16xi1>) value(%get3A_519 : vector<16xi32>) : vector<16xi1>, vector<16xi32>
    %convert_element_type3A_523 = arith.sitofp %unique3A_522 : vector<16xi32> to vector<16xf32>
    tpu.vector_store_idx %arg9[%get3A_519], %convert_element_type3A_523 masked %unique3A {add = true} : memref<10000xf32, #tpu.memory_space<vmem>>[vector<16xi32>], vector<16xf32>, vector<16xi1>
    %mul3A_524 = arith.constant 10000 : i32
    %mul3A_525 = arith.muli %add3A, %mul3A_524 : i32
    "tpu.region"() ({
      %run_scoped3A_534 = tpu.sem_alloc : memref<!tpu.dma_semaphore, #tpu.memory_space<semaphore_mem>>
      %dma_start3A_535 = tpu.memref_slice %arg5[%mul3A_525] : memref<320000xf32, #tpu.memory_space<hbm>> -> memref<10000xf32, #tpu.memory_space<hbm>>
      %dma_start3A_536 = tpu.memref_slice %arg5[%mul3A_525] : memref<320000xf32, #tpu.memory_space<hbm>> -> memref<10000xf32, #tpu.memory_space<hbm>>
      tpu.enqueue_dma source(%arg9 : memref<10000xf32, #tpu.memory_space<vmem>>) target(%dma_start3A_536 : memref<10000xf32, #tpu.memory_space<hbm>>) target_semaphore(%run_scoped3A_534 : memref<!tpu.dma_semaphore, #tpu.memory_space<semaphore_mem>>)
      %dma_wait3A_537 = tpu.memref_slice %arg5[%mul3A_525] : memref<320000xf32, #tpu.memory_space<hbm>> -> memref<10000xf32, #tpu.memory_space<hbm>>
      %dma_wait3A_538 = tpu.memref_slice %arg5[%mul3A_525] : memref<320000xf32, #tpu.memory_space<hbm>> -> memref<10000xf32, #tpu.memory_space<hbm>>
      tpu.wait_dma2 semaphore(%run_scoped3A_534 : memref<!tpu.dma_semaphore, #tpu.memory_space<semaphore_mem>>) src(%arg9 : memref<10000xf32, #tpu.memory_space<vmem>>) dst(%dma_wait3A_538 : memref<10000xf32, #tpu.memory_space<hbm>>)
      tpu.yield
    }) : () -> ()
    %barrier3A_526 = arith.constant 0 : index
    tpu.barrier barrier_id(%barrier3A_526)
    %mul3A_527 = arith.constant 624 : i32
    %mul3A_528 = arith.muli %arg1, %mul3A_527 : i32
    "tpu.region"() ({
      %run_scoped3A_534 = tpu.sem_alloc : memref<!tpu.dma_semaphore, #tpu.memory_space<semaphore_mem>>
      %dma_start3A_535 = arith.constant 0 : i32
      %dma_start3A_536 = tpu.memref_slice %arg4[%arg0, %mul3A_528, %dma_start3A_535] : memref<2x10000x128xf32, #tpu.memory_space<hbm>> -> memref<1x624x128xf32, #tpu.memory_space<hbm>>
      %dma_start3A_537 = tpu.memref_squeeze %dma_start3A_536 : memref<1x624x128xf32, #tpu.memory_space<hbm>> -> memref<624x128xf32, #tpu.memory_space<hbm>>
      %dma_start3A_538 = arith.constant 0 : i32
      %dma_start3A_539 = tpu.memref_slice %arg13[%mul3A_528, %dma_start3A_538] : memref<10000x128xf32, #tpu.memory_space<vmem_shared>> -> memref<624x128xf32, #tpu.memory_space<vmem_shared>>
      tpu.enqueue_dma source(%dma_start3A_539 : memref<624x128xf32, #tpu.memory_space<vmem_shared>>) target(%dma_start3A_537 : memref<624x128xf32, #tpu.memory_space<hbm>>) target_semaphore(%run_scoped3A_534 : memref<!tpu.dma_semaphore, #tpu.memory_space<semaphore_mem>>)
      %dma_wait3A_540 = arith.constant 0 : i32
      %dma_wait3A_541 = tpu.memref_slice %arg4[%arg0, %mul3A_528, %dma_wait3A_540] : memref<2x10000x128xf32, #tpu.memory_space<hbm>> -> memref<1x624x128xf32, #tpu.memory_space<hbm>>
      %dma_wait3A_542 = tpu.memref_squeeze %dma_wait3A_541 : memref<1x624x128xf32, #tpu.memory_space<hbm>> -> memref<624x128xf32, #tpu.memory_space<hbm>>
      %dma_wait3A_543 = arith.constant 0 : i32
      %dma_wait3A_544 = tpu.memref_slice %arg13[%mul3A_528, %dma_wait3A_543] : memref<10000x128xf32, #tpu.memory_space<vmem_shared>> -> memref<624x128xf32, #tpu.memory_space<vmem_shared>>
      tpu.wait_dma2 semaphore(%run_scoped3A_534 : memref<!tpu.dma_semaphore, #tpu.memory_space<semaphore_mem>>) src(%dma_wait3A_544 : memref<624x128xf32, #tpu.memory_space<vmem_shared>>) dst(%dma_wait3A_542 : memref<624x128xf32, #tpu.memory_space<hbm>>)
      tpu.yield
    }) : () -> ()
    %eq3A_529 = arith.constant 15 : i32
    %eq3A_530 = arith.cmpi eq, %arg1, %eq3A_529 : i32
    %convert_element_type3A_531 = arith.extui %eq3A_530 : i1 to i32
    %cond3A_532 = arith.constant 0 : i32
    %cond3A_533 = arith.cmpi ne, %convert_element_type3A_531, %cond3A_532 : i32
    scf.if %cond3A_533 {
      "tpu.region"() ({
        %run_scoped3A_534 = tpu.sem_alloc : memref<!tpu.dma_semaphore, #tpu.memory_space<semaphore_mem>>
        %dma_start3A_535 = arith.constant 9984 : i32
        %dma_start3A_536 = arith.constant 0 : i32
        %dma_start3A_537 = tpu.memref_slice %arg4[%arg0, %dma_start3A_535, %dma_start3A_536] : memref<2x10000x128xf32, #tpu.memory_space<hbm>> -> memref<1x16x128xf32, #tpu.memory_space<hbm>>
        %dma_start3A_538 = tpu.memref_squeeze %dma_start3A_537 : memref<1x16x128xf32, #tpu.memory_space<hbm>> -> memref<16x128xf32, #tpu.memory_space<hbm>>
        %dma_start3A_539 = arith.constant 9984 : i32
        %dma_start3A_540 = arith.constant 0 : i32
        %dma_start3A_541 = tpu.memref_slice %arg13[%dma_start3A_539, %dma_start3A_540] : memref<10000x128xf32, #tpu.memory_space<vmem_shared>> -> memref<16x128xf32, #tpu.memory_space<vmem_shared>>
        tpu.enqueue_dma source(%dma_start3A_541 : memref<16x128xf32, #tpu.memory_space<vmem_shared>>) target(%dma_start3A_538 : memref<16x128xf32, #tpu.memory_space<hbm>>) target_semaphore(%run_scoped3A_534 : memref<!tpu.dma_semaphore, #tpu.memory_space<semaphore_mem>>)
        %dma_wait3A_542 = arith.constant 9984 : i32
        %dma_wait3A_543 = arith.constant 0 : i32
        %dma_wait3A_544 = tpu.memref_slice %arg4[%arg0, %dma_wait3A_542, %dma_wait3A_543] : memref<2x10000x128xf32, #tpu.memory_space<hbm>> -> memref<1x16x128xf32, #tpu.memory_space<hbm>>
        %dma_wait3A_545 = tpu.memref_squeeze %dma_wait3A_544 : memref<1x16x128xf32, #tpu.memory_space<hbm>> -> memref<16x128xf32, #tpu.memory_space<hbm>>
        %dma_wait3A_546 = arith.constant 9984 : i32
        %dma_wait3A_547 = arith.constant 0 : i32
        %dma_wait3A_548 = tpu.memref_slice %arg13[%dma_wait3A_546, %dma_wait3A_547] : memref<10000x128xf32, #tpu.memory_space<vmem_shared>> -> memref<16x128xf32, #tpu.memory_space<vmem_shared>>
        tpu.wait_dma2 semaphore(%run_scoped3A_534 : memref<!tpu.dma_semaphore, #tpu.memory_space<semaphore_mem>>) src(%dma_wait3A_548 : memref<16x128xf32, #tpu.memory_space<vmem_shared>>) dst(%dma_wait3A_545 : memref<16x128xf32, #tpu.memory_space<hbm>>)
        tpu.yield
      }) : () -> ()
    } else {
    }
    return
  }
}

module attributes {stable_mosaic.version = 14 : i64} {
  func.func @_combine_body(%arg0: memref<2x10000x128xf32, #tpu.memory_space<vmem>>, %arg1: memref<32x10000xf32, #tpu.memory_space<vmem>>, %arg2: memref<10000x128xf32, #tpu.memory_space<vmem>>) attributes {dimension_semantics = [], scalar_prefetch = 0 : i64, scratch_operands = 0 : i64, tpu.core_type = #tpu.core_type<tc>} {
    %get3A = arith.constant 0 : index
    %get3A_0 = arith.constant 0 : index
    %get3A_1 = arith.constant 0 : index
    %get3A_2 = vector.load %arg0[%get3A, %get3A_0, %get3A_1] : memref<2x10000x128xf32, #tpu.memory_space<vmem>>, vector<1x10000x128xf32>
    %get3A_3 = vector.shape_cast %get3A_2 : vector<1x10000x128xf32> to vector<10000x128xf32>
    %get3A_4 = arith.constant 1 : index
    %get3A_5 = arith.constant 0 : index
    %get3A_6 = arith.constant 0 : index
    %get3A_7 = vector.load %arg0[%get3A_4, %get3A_5, %get3A_6] : memref<2x10000x128xf32, #tpu.memory_space<vmem>>, vector<1x10000x128xf32>
    %get3A_8 = vector.shape_cast %get3A_7 : vector<1x10000x128xf32> to vector<10000x128xf32>
    %add3A = arith.addf %get3A_3, %get3A_8 : vector<10000x128xf32>
    %broadcast_in_dim3A = arith.constant 1.000000e+00 : f32
    %broadcast_in_dim3A_9 = vector.broadcast %broadcast_in_dim3A : f32 to vector<32x1xf32>
    %get3A_10 = arith.constant 0 : index
    %get3A_11 = arith.constant 0 : index
    %get3A_12 = vector.load %arg1[%get3A_10, %get3A_11] : memref<32x10000xf32, #tpu.memory_space<vmem>>, vector<32x10000xf32>
    %dot_general3A = arith.constant dense<0.000000e+00> : vector<10000x1xf32>
    %dot_general3A_13 = tpu.matmul %get3A_12, %broadcast_in_dim3A_9, %dot_general3A {dimension_numbers = #tpu.dot_dimension_numbers<[0], [0], [1], [1], [0, 1, 1, 1], [], []>, transpose_lhs_hint = false} : vector<32x10000xf32>, vector<32x1xf32>, vector<10000x1xf32> -> vector<10000x1xf32>
    %max3A = arith.constant 1.000000e+00 : f32
    %max3A_14 = vector.broadcast %max3A : f32 to vector<10000x1xf32>
    %max3A_15 = arith.maximumf %dot_general3A_13, %max3A_14 : vector<10000x1xf32>
    %div3A = vector.broadcast %max3A_15 : vector<10000x1xf32> to vector<10000x128xf32>
    %div3A_16 = arith.divf %add3A, %div3A : vector<10000x128xf32>
    %swap3A = arith.constant 0 : index
    %swap3A_17 = arith.constant 0 : index
    %swap3A_18 = vector.load %arg2[%swap3A, %swap3A_17] : memref<10000x128xf32, #tpu.memory_space<vmem>>, vector<10000x128xf32>
    tpu.vector_store %arg2[%swap3A, %swap3A_17], %div3A_16 {strides = array<i32>} : memref<10000x128xf32, #tpu.memory_space<vmem>>, vector<10000x128xf32>,
    return
  }
}

</mosaic_0001>

<sc_bundles>
// kernel: kernel.4.cloned.1.call-start
scs
__scs_entry_jumppad:
0x0: {  	(pc) =	sbr.rel $0x88, $3  }
0x1: {  	(tag) =	ssettag $0x0;
	lr =	simm.s32 $0x1  }
0x2: {  	[smem:$0x3F9F] =	sst lr;
	_ =	strace $0xD0000000  }
0x3: {  	_ = 	snop  }
0x4: {  	_ = 	snop  }
0x5: {  	_ = 	snop  }
0x6: {  	_ = 	snop  }
0x7: {  	_ = 	snop  }
__scs_overlays_trampoline_lowered:
0x8: {  	[smem:$0x3FAE] =	sst s0  }
0x9: {  	[smem:$0x3FAF] =	sst s1  }
0xa: {  	[smem:$0x3FB0] =	sst s2  }
0xb: {  	[smem:$0x3FB1] =	sst s3  }
0xc: {  	[smem:$0x3FB2] =	sst s4  }
0xd: {  	[smem:$0x3FB3] =	sst s5  }
0xe: {  	[smem:$0x3FB4] =	sst s6  }
0xf: {  	[smem:$0x3FB5] =	sst s7  }
0x10: {  	[smem:$0x3FB6] =	sst s8  }
0x11: {  	[smem:$0x3FB7] =	sst s9;
	s0 =	simm.s32 @!p0 $0x0  }
0x12: {  	s1 =	sld [smem:$0x3F9D];
	s0 =	simm.s32 @p0 $0x1  }
0x13: {  	[smem:$0x3FB8] =	sst s0;
	s0 =	simm.s32 @!p1 $0x0  }
0x14: {  	s2 =	sld [smem:$0x3F9C];
	s0 =	simm.s32 @p1 $0x1  }
0x15: {  	[smem:$0x3FB9] =	sst s0;
	s0 =	simm.s32 @!p2 $0x0  }
0x16: {  	s3 =	sld [smem:$0x3FDB];
	s0 =	simm.s32 @p2 $0x1  }
0x17: {  	s4 =	simm.s32 $0x1BF5;
	[smem:$0x3FBB] =	sst s0  }
0x18: {  	s0 =	sld [smem:$0x3F9E];
	_ =	swait.ge [sflag:s4], $0x0  }
0x19: {  	s7 =	sld [smem:$0x3F9F]  }
0x1a: {  	s8 =	sadd.s32 $0xFFFFE003, lr  }
0x1b: {  	s9 =	sadd.s32 $0xFFFFFEF7, lr;
	s5 =	simm.s32 $0xFFFFFFFF;
	p2 =	slt.u32 s8, $0xFFFFF086  }
0x1c: {  	p1 =	slt.u32 s9, $0xF7A;
	s5 =	simm.s32 @!p2 $0x0  }
0x1d: {  	s5 =	simm.s32 @p1 $0x1;
	p0 =	seq.s32 s7, s2  }
0x1e: {  	s7 =	smul.u32 @!p0 $0xF7A, s2;
	p2 =	seq.s32 @!p0 s5, $0x0  }
0x1f: {  	s9 =	smul.u32 $0xF7A, s1;
	s8 =	simm.s32 @!p0 $0x1BF5;
	p2 =	por !p2, p0  }
0x20: {  	[sflag:s8] =	ssyncset.s32 @!p0 $0xFFFFF086;
	s6 =	sadd.s32 @!p0 s3, s7;
	s7 =	simm.s32 @!p0 $0x108  }
0x21: {  	s3 =	sadd.s32 s3, s9;
	s6 =	sadd.s32 @!p0 $0x88, s6;
	s7 =	simm.s32 @p2 $0x1082  }
0x22: {  	[simem:s7], [sflag:s8] =	dma.local @!p0 [hbm:s6], $0xF7A  }
0x23: {  	s9 =	sor.u32 $0xD0000000, s2;
	s6 =	simm.s32 $0x108;
	_ =	swait.ge @!p0 [sflag:s8], $0x0  }
0x24: {  	s3 =	sadd.s32 $0x88, s3;
	s6 =	simm.s32 @!p1 $0x1082;
	[sflag:s4] =	ssyncset.s32 $0xFFFFF086  }
0x25: {  	[simem:s6], [sflag:s4] =	dma.local [hbm:s3], $0xF7A  }
0x26: {  	[smem:$0x3F9F] =	sst s1;
	(tag) =	ssettag s2;
	_ =	strace s9  }
0x27: {  	s1 =	sld [smem:$0x3FAF]  }
0x28: {  	s2 =	sld [smem:$0x3FB0]  }
0x29: {  	s4 =	sld [smem:$0x3FB2]  }
0x2a: {  	p0 =	seq.s32 s5, $0x0;
	s5 =	sld [smem:$0x3FB3]  }
0x2b: {  	s6 =	sld [smem:$0x3FB4]  }
0x2c: {  	s7 =	sld [smem:$0x3FB5]  }
0x2d: {  	s3 =	simm.s32 $0x108;
	s8 =	sld [smem:$0x3FB6]  }
0x2e: {  	s3 =	simm.s32 @!p0 $0x1082;
	s9 =	sld [smem:$0x3FB7]  }
0x2f: {  	lr =	sadd.s32 s0, s3;
	s0 =	sld [smem:$0x3FAE]  }
0x30: {  	s3 =	sld [smem:$0x3FB1]  }
0x31: {  	[smem:$0x3FBA] =	sst s10  }
0x32: {  	s10 =	sld [smem:$0x3FB8];
	_ =	sdelay $0x3  }
0x33: {  	p0 =	seq.s32 s10, $0x1;
	s10 =	sld [smem:$0x3FBA];
	_ =	sdelay $0x3  }
0x34: {  	[smem:$0x3FBA] =	sst s10  }
0x35: {  	s10 =	sld [smem:$0x3FB9];
	_ =	sdelay $0x3  }
0x36: {  	p1 =	seq.s32 s10, $0x1;
	s10 =	sld [smem:$0x3FBA];
	_ =	sdelay $0x3  }
0x37: {  	[smem:$0x3FBA] =	sst s10  }
0x38: {  	s10 =	sld [smem:$0x3FBB]  }
0x39: {  	_ = 	snop;
	(pc) =	sbr.ind lr, $3  }
0x3a: {  	_ = 	snop  }
0x3b: {  	_ = 	snop  }
0x3c: {  	p2 =	seq.s32 s10, $0x1;
	s10 =	sld [smem:$0x3FBA]  }
0x3d: {  	_ =	shalt  }
0x3e: {  	_ =	shalt  }
0x3f: {  	_ =	shalt  }
0x40: {  	_ =	shalt  }
0x41: {  	_ =	shalt  }
0x42: {  	_ =	shalt  }
0x43: {  	_ =	shalt  }
0x44: {  	_ =	shalt  }
0x45: {  	_ =	shalt  }
0x46: {  	_ =	shalt  }
0x47: {  	_ =	shalt  }
0x48: {  	_ =	shalt  }
0x49: {  	_ =	shalt  }
0x4a: {  	_ =	shalt  }
0x4b: {  	_ =	shalt  }
0x4c: {  	_ =	shalt  }
0x4d: {  	_ =	shalt  }
0x4e: {  	_ =	shalt  }
0x4f: {  	_ =	shalt  }
0x50: {  	_ =	shalt  }
0x51: {  	_ =	shalt  }
0x52: {  	_ =	shalt  }
0x53: {  	_ =	shalt  }
0x54: {  	_ =	shalt  }
0x55: {  	_ =	shalt  }
0x56: {  	_ =	shalt  }
0x57: {  	_ =	shalt  }
0x58: {  	_ =	shalt  }
0x59: {  	_ =	shalt  }
0x5a: {  	_ =	shalt  }
0x5b: {  	_ =	shalt  }
0x5c: {  	_ =	shalt  }
0x5d: {  	_ =	shalt  }
0x5e: {  	_ =	shalt  }
0x5f: {  	_ =	shalt  }
0x60: {  	_ =	shalt  }
0x61: {  	_ =	shalt  }
0x62: {  	_ =	shalt  }
0x63: {  	_ =	shalt  }
0x64: {  	_ =	shalt  }
0x65: {  	_ =	shalt  }
0x66: {  	_ =	shalt  }
0x67: {  	_ =	shalt  }
0x68: {  	_ =	shalt  }
0x69: {  	_ =	shalt  }
0x6a: {  	_ =	shalt  }
0x6b: {  	_ =	shalt  }
0x6c: {  	_ =	shalt  }
0x6d: {  	_ =	shalt  }
0x6e: {  	_ =	shalt  }
0x6f: {  	_ =	shalt  }
0x70: {  	_ =	shalt  }
0x71: {  	_ =	shalt  }
0x72: {  	_ =	shalt  }
0x73: {  	_ =	shalt  }
0x74: {  	_ =	shalt  }
0x75: {  	_ =	shalt  }
0x76: {  	_ =	shalt  }
0x77: {  	_ =	shalt  }
0x78: {  	_ =	shalt  }
0x79: {  	_ =	shalt  }
0x7a: {  	_ =	shalt  }
0x7b: {  	_ =	shalt  }
0x7c: {  	_ =	shalt  }
0x7d: {  	_ =	shalt  }
0x7e: {  	_ =	shalt  }
0x7f: {  	_ =	shalt  }
0x80: {  	_ =	shalt  }
0x81: {  	_ =	shalt  }
0x82: {  	_ =	shalt  }
0x83: {  	_ =	shalt  }
0x84: {  	_ =	shalt  }
0x85: {  	_ =	shalt  }
0x86: {  	_ =	shalt  }
0x87: {  	_ =	shalt  }
.Lfunc_end0:
.L_simem_size_0:
called_computation_lowered:
.L_overlay_start_0:
0x88: {  	s2 =	sld [smem:$0x3FD9]  }
0x89: {  	s3 =	sld [smem:$0x3FFE];
	_ =	sdelay $0x1  }
0x8a: {  	s1 =	srdreg.scid  }
0x8b: {  	s0 =	sand.u32 $0x1, s1  }
0x8c: {  	s17 =	sshll.u32 s0, $0xA;
	s2 =	sadd.s32 s3, s2  }
0x8d: {  	s2 =	sadd.s32 s2, s17  }
0x8e: {  	[smem:$0x3FC6] =	sst s2  }
0x8f: {  	_ = 	snop  }
0x90: {  	s2 =	sld [smem:$0x3FC9]  }
0x91: {  	s18 =	sld [smem:$0x3FC8]  }
0x92: {  	s4 =	sld [smem:$0x3FD0];
	(tm) =	ssettm $0x1  }
0x93: {  	s5 =	sld [smem:$0x3FFB];
	_ =	sdelay $0x3  }
0x94: {  	_ =	strace s5  }
0x95: {  	s5 =	sld [smem:$0x3FFC];
	_ =	sdelay $0x3  }
0x96: {  	_ =	strace s5  }
0x97: {  	s5 =	sld [smem:$0x3FFD];
	_ =	sdelay $0x3  }
0x98: {  	_ =	strace s5  }
0x99: {  	_ =	strace $0x8FFFFFFF  }
0x9a: {  	s19 =	sld [smem:$0x3FDB];
	_ =	sdelay $0x1  }
0x9b: {  	s6 =	simm.s32 $_scs_section_size  }
0x9c: {  	s7 =	simm.s32 $_size__tile_overlayer_lowered;
	s8 =	simm.s32 $_tile_overlayer_lowered  }
0x9d: {  	s22 =	simm.s32 $0x1BFF;
	s21 =	sshll.u32 s8, $0x1;
	s5 =	sadd.s32 s6, s19  }
0x9e: {  	s9 =	simm.s32 $0x0;
	s20 =	sshll.u32 s7, $0x1;
	s7 =	sadd.s32 s21, s5  }
0x9f: {  	[timem:s9], [sflag:s22] =	dma.local [hbm:s7], s20  }
0xa0: {  	_ =	swait.ge [sflag:s22], s20  }
0xa1: {  	s6 =	ssub.s32 $0x0, s20;
	[sflag:s22] =	ssyncset.done $0x0  }
0xa2: {  	[sflag:s22] =	ssyncadd.s32 s6;
	_ =	sdelay $0x1  }
0xa3: {  	s23 =	simm.s32 $0x1B8B  }
0xa4: {  	_ =	swait.ge [sflag:s23], $0x1  }
0xa5: {  	[sflag:s23] =	ssyncset.done $0x0  }
0xa6: {  	s25 =	simm.s32 $0x1B8E;
	s24 =	sld [smem:$0x3FFE];
	[sflag:s23] =	ssyncadd.s32 $0xFFFFFFFF  }
0xa7: {  	s26 =	simm.s32 $execute0_lowered;
	[smem:$0x3FD2] =	sst s25  }
0xa8: {  	s7 =	sshll.u32 s26, $0x1;
	_ =	strace $0x80000046;
	[dreg:$0x1] =	wrdreg $0xFFFFFFFF  }
0xa9: {  	s28 =	simm.s32 $_size_execute0_lowered;
	s5 =	sadd.s32 s5, s7;
	[dreg:$0x0] =	wrdreg $0x0  }
0xaa: {  	s7 =	sshll.u32 s28, $0x1;
	[dreg:$0x2] =	wrdreg s5  }
0xab: {  	[dreg:$0x3] =	wrdreg s7  }
0xac: {  	[dreg:$0x4] =	wrdreg $0xC0  }
0xad: {  	_ =	task [dreg:s9], $0x5FFFF  }
0xae: {  	[dreg:$0x1] =	wrdreg $0xFFFFFFFF  }
0xaf: {  	[dreg:$0x0] =	wrdreg $0x60  }
0xb0: {  	[dreg:$0x2] =	wrdreg s2  }
0xb1: {  	[dreg:$0x3] =	wrdreg s18  }
0xb2: {  	[dreg:$0x4] =	wrdreg s24  }
0xb3: {  	[dreg:$0x5] =	wrdreg s4  }
0xb4: {  	[dreg:$0x6] =	wrdreg $0xAA000  }
0xb5: {  	[dreg:$0x7] =	wrdreg $0x9  }
0xb6: {  	_ =	task.clear_ibuf [dreg:s9], $0x8FFFF;
	_ =	strace $0x90000046  }
0xb7: {  	s29 =	simm.s32 $0x9;
	_ =	strace $0x80000048  }
0xb8: {  	_ =	swait.ge [sflag:s29], $0x1  }
0xb9: {  	[sflag:s29] =	ssyncadd.s32 $0xFFFFFFFF  }
0xba: {  	_ =	strace $0x90000048  }
0xbb: {  	_ =	sfence  }
0xbc: {  	s30 =	sld [smem:$0x0];
	_ =	sdelay $0x2  }
0xbd: {  	s31 =	sshll.u32 s1, $0xD;
	s1 =	sshrl.u32 s1, $0x2  }
0xbe: {  	s3 =	sand.u32 $0x4000, s31;
	s1 =	sadd.s32 s1, s30  }
0xbf: {  	s0 =	sor.u32 s3, s0;
	s1 =	sshll.u32 s1, $0x11  }
0xc0: {  	s0 =	sor.u32 s1, s0  }
0xc1: {  	s0 =	sadd.s32 $0x8F2B, s0  }
0xc2: {  	[sflag:s0] =	ssyncadd.remote.s32 $0x1  }
0xc3: {  	_ =	sfence.sel $0xFFFF  }
0xc4: {  	[dreg:$0x0] =	wrdreg $0xFFFFFFFF;
	(pc) =	sbr.abs _section_cstart, $3  }
0xc5: {  	[dreg:$0x1] =	wrdreg $0xFFFFFFFF  }
0xc6: {  	_ =	task.clear_ibuf [dreg:s9], $0x2FFFF;
	_ =	strace $0x9FFFFFFF  }
0xc7: {  	(tm) =	ssettm $0x7FFFFFFF  }
tec
execute0_lowered:
.L_overlay_start_1:
0x0: {  	(tag) =	ssettag $0x1  }
0x1: {  	s0 =	rddreg [dreg:$0x0]  }
0x2: {  	s1 =	rddreg [dreg:$0x1]  }
0x3: {  	s3 =	rddreg [dreg:$0x2]  }
0x4: {  	s5 =	rddreg [dreg:$0x3]  }
0x5: {  	s2 =	rddreg [dreg:$0x4]  }
0x6: {  	s4 =	srdreg.scid;
	s14 =	stileid.u32  }
0x7: {  	s28 =	simm.s32 $0xA;
	s29 =	simm.s32 $0x8;
	s30 =	simm.s32 $0xB  }
0x8: {  	s6 =	sand.u32 $0x1, s4;
	s4 =	simm.s32 $0x0;
	s13 =	smul.u32 $0x4E000, s14  }
0x9: {  	s3 =	sadd.s32 $0xA00, s3;
	s17 =	smul.u32 $0x13800, s14;
	p0 =	sne.s32 s14, $0xF  }
0xa: {  	s7 =	sshll.u32 s6, $0x4;
	[smem:$0x7FF] =	sst s4;
	s8 =	ssub.s32 $0x2, s6  }
0xb: {  	s15 =	smul.u32 $0x138800, s6;
	s7 =	sor.u32 s14, s7;
	_ =	strace $0x80000047  }
0xc: {  	s10 =	sshrl.u32 s8, $0x1;
	s23 =	sshrl.u32 s13, $0x2;
	s9 =	smul.u32 $0x2710, s7  }
0xd: {  	s7 =	smul.u32 $0x27100, s7;
	s8 =	ssub.s32 s8, s10;
	s31 =	sadd.s32 s23, s2  }
0xe: {  	s23 =	smul.u32 $0x2710, s14;
	s26 =	sadd.s32 $0x2000, s31;
	[dreg:$0xb] =	wrdreg s31  }
0xf: {  	s10 =	sshrl.u32 s9, $0x3;
	s11 =	sadd.s32 $0x40, s9;
	s7 =	sadd.s32 s0, s7  }
0x10: {  	s12 =	sadd.s32 $0x80, s9;
	s24 =	sadd.s32 $0xC0, s9;
	[dreg:$0xd] =	wrdreg s26  }
0x11: {  	s9 =	sadd.s32 $0x2700, s9;
	[dreg:$0x6] =	wrdreg s7;
	s19 =	sadd.s32 s1, s10  }
0x12: {  	s20 =	sshll.u32 s11, $0x4;
	s11 =	sshrl.u32 s11, $0x3;
	s22 =	sshll.u32 s12, $0x4  }
0x13: {  	s12 =	sshrl.u32 s12, $0x3;
	s25 =	sshll.u32 s24, $0x4;
	s13 =	sshrl.u32 s24, $0x3  }
0x14: {  	s16 =	sshll.u32 s9, $0x4;
	s5 =	sadd.s32 s5, s10;
	[dreg:$0x7] =	wrdreg s19  }
0x15: {  	s9 =	sshrl.u32 s9, $0x3;
	s7 =	sadd.s32 s0, s20;
	[dreg:$0x12] =	wrdreg s5  }
0x16: {  	s24 =	smul.u32 $0x271000, s6;
	s21 =	sadd.s32 s1, s11;
	[dreg:$0x8] =	wrdreg s7  }
0x17: {  	s12 =	sadd.s32 s1, s12;
	s18 =	sadd.s32 s0, s16;
	[dreg:$0x9] =	wrdreg s21  }
0x18: {  	s19 =	sadd.s32 s1, s9;
	s20 =	sadd.s32 s17, s15;
	[dreg:$0xc] =	wrdreg s12  }
0x19: {  	s9 =	smax.u32 s8, $0x1;
	s7 =	sadd.s32 s0, s22;
	[dreg:$0x10] =	wrdreg s18  }
0x1a: {  	[dreg:$0x11] =	wrdreg s19;
	s21 =	smul.u32 $0x27100, s6;
	s5 =	sshrl.u32 s20, $0x3  }
0x1b: {  	s22 =	sshrl.u32 s15, $0x3;
	[dreg:$0x15] =	wrdreg s9;
	s18 =	sadd.s32 $0x4000, s31  }
0x1c: {  	s19 =	sadd.s32 $0x6000, s31;
	s20 =	sadd.s32 $0x8000, s31;
	[dreg:$0xa] =	wrdreg s7  }
0x1d: {  	s9 =	simm.s32 $0x8080;
	s7 =	sadd.s32 s0, s25;
	[dreg:$0x1a] =	wrdreg s18  }
0x1e: {  	s5 =	sadd.s32 s3, s5;
	s3 =	sadd.s32 s3, s22;
	[dreg:$0x1b] =	wrdreg s19  }
0x1f: {  	s25 =	smul.u32 $0x27100, s14;
	s0 =	sadd.s32 s24, s0;
	[dreg:$0x1c] =	wrdreg s20  }
0x20: {  	s22 =	sadd.s32 $0xA000, s31;
	s24 =	sadd.s32 $0xE000, s31;
	s14 =	simm.s32 $0xC  }
0x21: {  	s18 =	simm.s32 $0x8280;
	s19 =	simm.s32 $0x40;
	[dreg:$0xe] =	wrdreg s7  }
0x22: {  	s20 =	simm.s32 $0x2;
	s7 =	sadd.s32 s1, s13;
	[dreg:$0x13] =	wrdreg s5  }
0x23: {  	s3 =	sadd.s32 $0x27000, s3;
	s26 =	sadd.s32 s23, s21;
	[dreg:$0x1d] =	wrdreg s22  }
0x24: {  	s23 =	sadd.s32 $0xC000, s31;
	[dreg:$0x1f] =	wrdreg s24;
	s5 =	sadd.s32 $0x138000, s2  }
0x25: {  	s22 =	simm.s32 $0x6;
	s24 =	simm.s32 $0x3;
	[dreg:$0xf] =	wrdreg s7  }
0x26: {  	[dreg:$0x14] =	wrdreg s3;
	s10 =	sadd.s32 $0x180, s26;
	s21 =	sadd.s32 s25, s0  }
0x27: {  	s12 =	sadd.s32 $0x140, s26;
	s15 =	sadd.s32 $0xC0, s26;
	[dreg:$0x1e] =	wrdreg s23  }
0x28: {  	s16 =	sadd.s32 $0x100, s26;
	s25 =	sadd.s32 $0x10000, s31;
	[smem:$0x7FD] =	sst s5  }
0x29: {  	s26 =	sadd.s32 $0x12000, s31;
	s23 =	simm.s32 $0x9;
	[dreg:$0x18] =	wrdreg s16  }
0x2a: {  	s3 =	simm.s32 $0x0;
	s11 =	sshrl.u32 s10, $0x3;
	[smem:$0x7FB] =	sst s25  }
0x2b: {  	s13 =	sshrl.u32 s12, $0x3;
	s17 =	sshrl.u32 s15, $0x3;
	[smem:$0x7FC] =	sst s26  }
.Ltmp0:
0x2c: {  	s12 =	simm.s32 $0x8100;
	s15 =	simm.s32 $0x8180;
	(pc) =	sbr.rel .LBB2_1-.Ltmp0, $4  }
0x2d: {  	s16 =	simm.s32 $0x1;
	s26 =	simm.s32 $0x7;
	s0 =	sadd.s32 s11, s1  }
0x2e: {  	s25 =	simm.s32 $0x4;
	[dreg:$0x16] =	wrdreg s0;
	s0 =	sadd.s32 s13, s1  }
0x2f: {  	s11 =	simm.s32 $0x4000;
	[dreg:$0x17] =	wrdreg s0;
	s0 =	sadd.s32 s17, s1  }
0x30: {  	v0 =	vimm.f32 $0.0e+00;
	s13 =	simm.s32 $0x6000;
	s17 =	simm.s32 $0x5;
	[dreg:$0x19] =	wrdreg s0  }
.LBB2_8:
0x31: {  	_ =	swait.ge [sflag:s14], $0x2000  }
0x32: {  	[sflag:s14] =	ssyncset.done $0x0  }
0x33: {  	s5 =	simm.s32 $0xD;
	s0 =	rddreg [dreg:$0x10];
	[sflag:s14] =	ssyncadd.s32 $0xFFFFE000  }
0x34: {  	[tilespmem:s4], [sflag:$0xD] =	stream.linear.gather [hbm4b:s0+s4], $0x800, $0x38;
	[tilespmem:$0x1E280] =	vst v63  }
0x35: {  	_ =	swait.ge [sflag:s5], $0x800  }
0x36: {  	[sflag:s5] =	ssyncset.done $0x0  }
0x37: {  	s1 =	simm.s32 $0x8200;
	s8 =	rddreg [dreg:$0x11];
	[sflag:s5] =	ssyncadd.s32 $0xFFFFF800  }
0x38: {  	[tilespmem:s1], [sflag:$0xD] =	stream.linear.gather [hbm4b:s8+s4], $0x10, $0x38;
	[tilespmem:$0x1E280] =	vst v63  }
0x39: {  	_ =	swait.ge [sflag:s5], $0x10  }
0x3a: {  	[sflag:s5] =	ssyncset.done $0x0  }
0x3b: {  	s10 =	simm.s32 $0x10;
	[sflag:s5] =	ssyncadd.s32 $0xFFFFFFF0  }
0x3c: {  	[spmem:s2] =	stream.indirect.scatter.add.f32 [tilespmem:s4], [sflag:$0xD], $0x80, s1, s10, $0xb8;
	[tilespmem:$0x1E280] =	vst v63  }
0x3d: {  	_ =	swait.ge [sflag:s5], $0x800  }
0x3e: {  	[sflag:s5] =	ssyncset.done $0x0  }
0x3f: {  	[sflag:s5] =	ssyncadd.s32 $0xFFFFF800  }
0x40: {  	v1 =	vld [tilespmem:$0x8200];
	_ =	sdelay $0x4  }
0x41: {  	(xrf1) =	vunique.msk.u32 $0xffff, v1;
	_ =	sdelay $0xd  }
0x42: {  	_, v2, vm0 =	vpop (xrf1);
	_ =	sdelay $0x3  }
0x43: {  	v2 =	vcvt.s32.f32 v2;
	_ =	sdelay $0x1  }
0x44: {  	s3 =	rddreg [dreg:$0x12];
	[tilespmem:v1+s18+$0x0] =	vst.idx.add.f32.msk vm0, v2  }
0x45: {  	[hbm4b:s3+s4] =	stream.linear.scatter [tilespmem:s18], [sflag:$0xD], $0x2710, $0x38;
	[tilespmem:$0x1E280] =	vst v63  }
0x46: {  	_ =	swait.ge [sflag:s5], $0x2710  }
0x47: {  	[sflag:s5] =	ssyncset.done $0x0  }
0x48: {  	[sflag:s5] =	ssyncadd.s32 $0xFFFFD8F0  }
0x49: {  	s6 =	stileid.u32;
	[bflag:$0x0] =	sbarrier.arrive $0xFFFF  }
0x4a: {  	s0 =	sshll.u32 s6, $0x6;
	s31 =	rddreg [dreg:$0xb]  }
0x4b: {  	s0 =	sor.u32 $0x1C0D, s0;
	s3 =	rddreg [dreg:$0x13];
	s7 =	sshrl.u32 s31, $0x3  }
0x4c: {  	[hbm:s3], [sflag:s0] =	dma.local [spmem:s7], $0x2700  }
0x4d: {  	_ =	swait.ge [sflag:s5], $0x2700  }
0x4e: {  	[sflag:s5] =	ssyncset.done $0x0  }
0x4f: {  	[sflag:s5] =	ssyncadd.s32 $0xFFFFD900;
	s5 =	sld [smem:$0x7FD];
	_ =	sdelay $0x2  }
0x50: {  	s3 =	rddreg [dreg:$0x14];
	s1 =	sshrl.u32 @!p0 s5, $0x3  }
0x51: {  	[hbm:s3], [sflag:s0] =	dma.local @!p0 [spmem:s1], $0x100  }
0x52: {  	s0 =	simm.s32 @!p0 $0xD  }
0x53: {  	_ =	swait.ge @!p0 [sflag:s0], $0x100  }
0x54: {  	s8 =	sld [smem:$0x7FA];
	_ =	sdelay $0x2  }
0x55: {  	s10 =	rddreg [dreg:$0x15];
	s3 =	sadd.s32 $0x1, s8  }
0x56: {  	p1 =	sne.s32 s3, s10  }
.Ltmp1:
0x57: {  	_ = 	snop;
	(pc) =	sbr.rel @!p1 .LBB2_9-.Ltmp1, $3  }
0x58: {  	_ =	sdelay $0x1  }
0x59: {  	[sflag:s0] =	ssyncset.done @!p0 $0x0  }
0x5a: {  	[sflag:s0] =	ssyncadd.s32 @!p0 $0xFFFFFF00  }
.LBB2_1:
0x5b: {  	[smem:$0x7FA] =	sst s3  }
0x5c: {  	s0 =	rddreg [dreg:$0x6]  }
0x5d: {  	[tilespmem:s4], [sflag:$0x1] =	stream.linear.gather [hbm4b:s0+s4], $0x2000, $0x38;
	[tilespmem:$0x1E280] =	vst v63  }
0x5e: {  	s10 =	rddreg [dreg:$0x7];
	s1 =	simm.s32 $0x8000  }
0x5f: {  	[tilespmem:s1], [sflag:$0x5] =	stream.linear.gather [hbm4b:s10+s4], $0x40, $0x38;
	[tilespmem:$0x1E280] =	vst v63  }
0x60: {  	s3 =	rddreg [dreg:$0x8];
	s6 =	simm.s32 $0x2000  }
0x61: {  	[tilespmem:s6], [sflag:$0x2] =	stream.linear.gather [hbm4b:s3+s4], $0x2000, $0x38;
	[tilespmem:$0x1E280] =	vst v63  }
0x62: {  	s7 =	rddreg [dreg:$0x9]  }
0x63: {  	[tilespmem:s9], [sflag:$0x6] =	stream.linear.gather [hbm4b:s7+s4], $0x40, $0x38;
	[tilespmem:$0x1E280] =	vst v63  }
0x64: {  	s8 =	rddreg [dreg:$0xa]  }
0x65: {  	[tilespmem:s11], [sflag:$0x3] =	stream.linear.gather [hbm4b:s8+s4], $0x2000, $0x38;
	[tilespmem:$0x1E280] =	vst v63  }
0x66: {  	s0 =	simm.s32 $0x0;
	s10 =	rddreg [dreg:$0xc];
	s3 =	simm.s32 $0x200  }
0x67: {  	[tilespmem:s12], [sflag:$0x7] =	stream.linear.gather [hbm4b:s10+s4], $0x40, $0x38;
	[tilespmem:$0x1E280] =	vst v63  }
.LBB2_2:
0x68: {  	p1 =	sne.s32 s3, $0x7E00;
	[tilespmem:s0+$0x6070] =	vst v0  }
0x69: {  	[tilespmem:s0+$0x6000] =	vst v0  }
0x6a: {  	[tilespmem:s0+$0x6010] =	vst v0  }
.Ltmp2:
0x6b: {  	[tilespmem:s0+$0x6020] =	vst v0;
	(pc) =	sbr.rel @p1 .LBB2_2-.Ltmp2, $4  }
0x6c: {  	[tilespmem:s0+$0x6030] =	vst v0  }
0x6d: {  	[tilespmem:s0+$0x6040] =	vst v0  }
0x6e: {  	[tilespmem:s0+$0x6050] =	vst v0  }
0x6f: {  	[tilespmem:s0+$0x6060] =	vst v0;
	s0 =	sshra.s32 s3, $0x2;
	s3 =	sadd.s32 $0x200, s3  }
0x70: {  	[tilespmem:s0+$0x6070] =	vst v0  }
0x71: {  	[tilespmem:s0+$0x6000] =	vst v0  }
0x72: {  	[tilespmem:s0+$0x6010] =	vst v0  }
0x73: {  	[tilespmem:s0+$0x6020] =	vst v0  }
0x74: {  	[tilespmem:s0+$0x6030] =	vst v0  }
0x75: {  	[tilespmem:s0+$0x6040] =	vst v0  }
0x76: {  	[tilespmem:s0+$0x6050] =	vst v0  }
0x77: {  	[tilespmem:s0+$0x6060] =	vst v0;
	s10 =	rddreg [dreg:$0xd]  }
0x78: {  	[spmem:s31] =	stream.linear.scatter [tilespmem:s13], [sflag:$0xC], $0x2000, $0x38;
	[tilespmem:$0x1E280] =	vst v63  }
0x79: {  	s1 =	rddreg [dreg:$0x1b]  }
0x7a: {  	[spmem:s10] =	stream.linear.scatter [tilespmem:s13], [sflag:$0xC], $0x2000, $0x38;
	[tilespmem:$0x1E280] =	vst v63  }
0x7b: {  	s31 =	rddreg [dreg:$0x1a]  }
0x7c: {  	[spmem:s31] =	stream.linear.scatter [tilespmem:s13], [sflag:$0xC], $0x2000, $0x38;
	[tilespmem:$0x1E280] =	vst v63  }
0x7d: {  	s3 =	rddreg [dreg:$0x1c]  }
0x7e: {  	[spmem:s1] =	stream.linear.scatter [tilespmem:s13], [sflag:$0xC], $0x2000, $0x38;
	[tilespmem:$0x1E280] =	vst v63  }
0x7f: {  	s6 =	rddreg [dreg:$0x1d]  }
0x80: {  	[spmem:s3] =	stream.linear.scatter [tilespmem:s13], [sflag:$0xC], $0x2000, $0x38;
	[tilespmem:$0x1E280] =	vst v63  }
0x81: {  	s7 =	rddreg [dreg:$0x1e]  }
0x82: {  	[spmem:s6] =	stream.linear.scatter [tilespmem:s13], [sflag:$0xC], $0x2000, $0x38;
	[tilespmem:$0x1E280] =	vst v63  }
0x83: {  	s8 =	rddreg [dreg:$0x1f]  }
0x84: {  	[spmem:s7] =	stream.linear.scatter [tilespmem:s13], [sflag:$0xC], $0x2000, $0x38;
	[tilespmem:$0x1E280] =	vst v63  }
0x85: {  	s10 =	sld [smem:$0x7FB]  }
0x86: {  	[spmem:s8] =	stream.linear.scatter [tilespmem:s13], [sflag:$0xC], $0x2000, $0x38;
	[tilespmem:$0x1E280] =	vst v63  }
0x87: {  	s31 =	sld [smem:$0x7FC]  }
0x88: {  	[spmem:s10] =	stream.linear.scatter [tilespmem:s13], [sflag:$0xC], $0x2000, $0x38;
	[tilespmem:$0x1E280] =	vst v63  }
0x89: {  	_ = 	snop  }
0x8a: {  	[spmem:s31] =	stream.linear.scatter [tilespmem:s13], [sflag:$0xC], $0x1800, $0x38;
	[tilespmem:$0x1E280] =	vst v63  }
0x8b: {  	s0 =	simm.s32 @!p0 $0x6000  }
0x8c: {  	[spmem:s5] =	stream.linear.scatter @!p0 [tilespmem:s0], [sflag:$0xD], $0x800, $0x38;
	[tilespmem:$0x1E280] =	vst v63  }
0x8d: {  	s0 =	simm.s32 @!p0 $0xD  }
0x8e: {  	_ =	swait.ge @!p0 [sflag:s0], $0x800  }
0x8f: {  	[sflag:s0] =	ssyncset.done @!p0 $0x0  }
0x90: {  	s3 =	simm.s32 $0x0;
	[sflag:s0] =	ssyncadd.s32 @!p0 $0xFFFFF800;
	s0 =	simm.s32 $0x40  }
.LBB2_4:
0x91: {  	p1 =	sne.s32 s0, $0x9C00;
	[tilespmem:s3+$0x8280] =	vst v0;
	s3 =	smov.u32 s0;
	s0 =	sadd.s32 $0x40, s0  }
.Ltmp3:
0x92: {  	(pc) =	sbr.rel @p1 .LBB2_4-.Ltmp3, $2  }
0x93: {  	_ =	sdelay $0x2  }
0x94: {  	s3 =	sshra.s32 s3, $0x2  }
0x95: {  	[tilespmem:s3+$0x8280] =	vst v0  }
0x96: {  	_ =	swait.ge [sflag:s14], $0x2000  }
0x97: {  	[sflag:s14] =	ssyncset.done $0x0  }
0x98: {  	[sflag:s14] =	ssyncadd.s32 $0xFFFFE000  }
0x99: {  	_ =	swait.ge [sflag:s14], $0x2000  }
0x9a: {  	[sflag:s14] =	ssyncset.done $0x0  }
0x9b: {  	[sflag:s14] =	ssyncadd.s32 $0xFFFFE000  }
0x9c: {  	_ =	swait.ge [sflag:s14], $0x2000  }
0x9d: {  	[sflag:s14] =	ssyncset.done $0x0  }
0x9e: {  	[sflag:s14] =	ssyncadd.s32 $0xFFFFE000  }
0x9f: {  	_ =	swait.ge [sflag:s14], $0x2000  }
0xa0: {  	[sflag:s14] =	ssyncset.done $0x0  }
0xa1: {  	[sflag:s14] =	ssyncadd.s32 $0xFFFFE000  }
0xa2: {  	_ =	swait.ge [sflag:s14], $0x2000  }
0xa3: {  	[sflag:s14] =	ssyncset.done $0x0  }
0xa4: {  	[sflag:s14] =	ssyncadd.s32 $0xFFFFE000  }
0xa5: {  	_ =	swait.ge [sflag:s14], $0x2000  }
0xa6: {  	[sflag:s14] =	ssyncset.done $0x0  }
0xa7: {  	[sflag:s14] =	ssyncadd.s32 $0xFFFFE000  }
0xa8: {  	_ =	swait.ge [sflag:s14], $0x2000  }
0xa9: {  	[sflag:s14] =	ssyncset.done $0x0  }
0xaa: {  	[sflag:s14] =	ssyncadd.s32 $0xFFFFE000  }
0xab: {  	_ =	swait.ge [sflag:s14], $0x2000  }
0xac: {  	[sflag:s14] =	ssyncset.done $0x0  }
0xad: {  	[sflag:s14] =	ssyncadd.s32 $0xFFFFE000  }
0xae: {  	_ =	swait.ge [sflag:s14], $0x2000  }
0xaf: {  	[sflag:s14] =	ssyncset.done $0x0  }
0xb0: {  	[sflag:s14] =	ssyncadd.s32 $0xFFFFE000  }
0xb1: {  	_ =	swait.ge [sflag:s14], $0x1800  }
0xb2: {  	[sflag:s14] =	ssyncset.done $0x0  }
0xb3: {  	s5 =	simm.s32 $0x0;
	s0 =	rddreg [dreg:$0xe];
	[sflag:s14] =	ssyncadd.s32 $0xFFFFE800  }
0xb4: {  	[tilespmem:s13], [sflag:$0x4] =	stream.linear.gather [hbm4b:s0+s5], $0x2000, $0x38;
	[tilespmem:$0x1E280] =	vst v63  }
0xb5: {  	s31 =	rddreg [dreg:$0xf]  }
0xb6: {  	[tilespmem:s15], [sflag:$0x8] =	stream.linear.gather [hbm4b:s31+s5], $0x40, $0x38;
	[tilespmem:$0x1E280] =	vst v63  }
0xb7: {  	[bflag:$0x0] =	sbarrier.arrive $0xFFFF  }
0xb8: {  	s0 =	rddreg [dreg:$0x19]  }
0xb9: {  	s6 =	rddreg [dreg:$0x18]  }
0xba: {  	s10 =	rddreg [dreg:$0x17]  }
0xbb: {  	s3 =	rddreg [dreg:$0x16]  }
.LBB2_6:
0xbc: {  	_ =	swait.ge [sflag:s16], $0x2000  }
0xbd: {  	[sflag:s16] =	ssyncset.done $0x0  }
0xbe: {  	[sflag:s16] =	ssyncadd.s32 $0xFFFFE000  }
0xbf: {  	_ =	swait.ge [sflag:s17], $0x40  }
0xc0: {  	[sflag:s17] =	ssyncset.done $0x0  }
0xc1: {  	[sflag:s17] =	ssyncadd.s32 $0xFFFFFFC0  }
0xc2: {  	v1 =	vld [tilespmem:$0x8000];
	_ =	sdelay $0x4  }
0xc3: {  	(xrf1) =	vunique.msk.u32 $0xffff, v1;
	_ =	sdelay $0xd  }
0xc4: {  	_, v2, vm0 =	vpop (xrf1);
	_ =	sdelay $0x3  }
0xc5: {  	v2 =	vcvt.s32.f32 v2;
	_ =	sdelay $0x1  }
0xc6: {  	[tilespmem:v1+s18+$0x0] =	vst.idx.add.f32.msk vm0, v2  }
0xc7: {  	v1 =	vld [tilespmem:$0x8010];
	_ =	sdelay $0x4  }
0xc8: {  	(xrf1) =	vunique.msk.u32 $0xffff, v1;
	_ =	sdelay $0xd  }
0xc9: {  	_, v2, vm0 =	vpop (xrf1);
	_ =	sdelay $0x3  }
0xca: {  	v2 =	vcvt.s32.f32 v2;
	_ =	sdelay $0x1  }
0xcb: {  	[tilespmem:v1+s18+$0x0] =	vst.idx.add.f32.msk vm0, v2  }
0xcc: {  	v1 =	vld [tilespmem:$0x8020];
	_ =	sdelay $0x4  }
0xcd: {  	(xrf1) =	vunique.msk.u32 $0xffff, v1;
	_ =	sdelay $0xd  }
0xce: {  	_, v2, vm0 =	vpop (xrf1);
	_ =	sdelay $0x3  }
0xcf: {  	v2 =	vcvt.s32.f32 v2;
	_ =	sdelay $0x1  }
0xd0: {  	[tilespmem:v1+s18+$0x0] =	vst.idx.add.f32.msk vm0, v2  }
0xd1: {  	v1 =	vld [tilespmem:$0x8030];
	_ =	sdelay $0x4  }
0xd2: {  	(xrf1) =	vunique.msk.u32 $0xffff, v1;
	_ =	sdelay $0xd  }
0xd3: {  	_, v2, vm0 =	vpop (xrf1);
	_ =	sdelay $0x3  }
0xd4: {  	v2 =	vcvt.s32.f32 v2  }
0xd5: {  	p1 =	seq.s32 s5, $0x0  }
0xd6: {  	s1 =	simm.s32 $0x8000;
	s31 =	simm.s32 @!p1 $0xC;
	[tilespmem:v1+s18+$0x0] =	vst.idx.add.f32.msk vm0, v2  }
0xd7: {  	[spmem:s2] =	stream.indirect.scatter.add.f32 [tilespmem:s4], [sflag:$0x9], $0x80, s1, s19, $0xb8;
	[tilespmem:$0x1E280] =	vst v63  }
0xd8: {  	_ =	swait.ge @!p1 [sflag:s31], $0x2000  }
0xd9: {  	[sflag:s31] =	ssyncset.done @!p1 $0x0  }
0xda: {  	[sflag:s31] =	ssyncadd.s32 @!p1 $0xFFFFE000;
	s31 =	sadd.s32 @!p1 s5, s21  }
0xdb: {  	s7 =	simm.s32 @!p1 $0x6000;
	s1 =	simm.s32 @!p1 $0x0;
	s31 =	sadd.s32 @!p1 $0xC00, s31  }
0xdc: {  	[tilespmem:s7], [sflag:$0x4] =	stream.linear.gather @!p1 [hbm4b:s31+s1], $0x2000, $0x38;
	[tilespmem:$0x1E280] =	vst v63  }
0xdd: {  	s7 =	simm.s32 @!p1 $0x8180  }
0xde: {  	[tilespmem:s7], [sflag:$0x8] =	stream.linear.gather @!p1 [hbm4b:s0+s1], $0x40, $0x38;
	[tilespmem:$0x1E280] =	vst v63  }
0xdf: {  	_ =	swait.ge [sflag:s20], $0x2000  }
0xe0: {  	[sflag:s20] =	ssyncset.done $0x0  }
0xe1: {  	[sflag:s20] =	ssyncadd.s32 $0xFFFFE000  }
0xe2: {  	_ =	swait.ge [sflag:s22], $0x40  }
0xe3: {  	[sflag:s22] =	ssyncset.done $0x0  }
0xe4: {  	[sflag:s22] =	ssyncadd.s32 $0xFFFFFFC0  }
0xe5: {  	v1 =	vld [tilespmem:$0x8080];
	_ =	sdelay $0x4  }
0xe6: {  	(xrf1) =	vunique.msk.u32 $0xffff, v1;
	_ =	sdelay $0xd  }
0xe7: {  	_, v2, vm0 =	vpop (xrf1);
	_ =	sdelay $0x3  }
0xe8: {  	v2 =	vcvt.s32.f32 v2;
	_ =	sdelay $0x1  }
0xe9: {  	[tilespmem:v1+s18+$0x0] =	vst.idx.add.f32.msk vm0, v2  }
0xea: {  	v1 =	vld [tilespmem:$0x8090];
	_ =	sdelay $0x4  }
0xeb: {  	(xrf1) =	vunique.msk.u32 $0xffff, v1;
	_ =	sdelay $0xd  }
0xec: {  	_, v2, vm0 =	vpop (xrf1);
	_ =	sdelay $0x3  }
0xed: {  	v2 =	vcvt.s32.f32 v2;
	_ =	sdelay $0x1  }
0xee: {  	[tilespmem:v1+s18+$0x0] =	vst.idx.add.f32.msk vm0, v2  }
0xef: {  	v1 =	vld [tilespmem:$0x80A0];
	_ =	sdelay $0x4  }
0xf0: {  	(xrf1) =	vunique.msk.u32 $0xffff, v1;
	_ =	sdelay $0xd  }
0xf1: {  	_, v2, vm0 =	vpop (xrf1);
	_ =	sdelay $0x3  }
0xf2: {  	v2 =	vcvt.s32.f32 v2;
	_ =	sdelay $0x1  }
0xf3: {  	[tilespmem:v1+s18+$0x0] =	vst.idx.add.f32.msk vm0, v2  }
0xf4: {  	v1 =	vld [tilespmem:$0x80B0];
	_ =	sdelay $0x4  }
0xf5: {  	(xrf1) =	vunique.msk.u32 $0xffff, v1;
	_ =	sdelay $0xd  }
0xf6: {  	_, v2, vm0 =	vpop (xrf1);
	_ =	sdelay $0x3  }
0xf7: {  	v2 =	vcvt.s32.f32 v2;
	_ =	sdelay $0x1  }
0xf8: {  	s31 =	simm.s32 $0x2000;
	[tilespmem:v1+s18+$0x0] =	vst.idx.add.f32.msk vm0, v2  }
0xf9: {  	[spmem:s2] =	stream.indirect.scatter.add.f32 [tilespmem:s31], [sflag:$0xA], $0x80, s9, s19, $0xb8;
	[tilespmem:$0x1E280] =	vst v63  }
0xfa: {  	p1 =	seq.s32 s5, $0x26000;
	_ =	swait.ge [sflag:s23], $0x2000  }
0xfb: {  	s1 =	sadd.s32 @!p1 s5, s21;
	[sflag:s23] =	ssyncset.done $0x0  }
0xfc: {  	s7 =	sadd.s32 @!p1 $0x1000, s1;
	s31 =	simm.s32 @!p1 $0x0;
	[sflag:s23] =	ssyncadd.s32 $0xFFFFE000  }
0xfd: {  	[tilespmem:s31], [sflag:$0x1] =	stream.linear.gather @!p1 [hbm4b:s7+s31], $0x2000, $0x38;
	[tilespmem:$0x1E280] =	vst v63  }
0xfe: {  	s7 =	sshrl.u32 @!p1 s6, $0x3;
	s8 =	rddreg [dreg:$0x1]  }
0xff: {  	s7 =	sadd.s32 @!p1 s8, s7;
	s8 =	simm.s32 @!p1 $0x8000  }
0x100: {  	[tilespmem:s8], [sflag:$0x5] =	stream.linear.gather @!p1 [hbm4b:s7+s31], $0x40, $0x38;
	[tilespmem:$0x1E280] =	vst v63  }
0x101: {  	_ =	swait.ge [sflag:s24], $0x2000  }
0x102: {  	[sflag:s24] =	ssyncset.done $0x0  }
0x103: {  	[sflag:s24] =	ssyncadd.s32 $0xFFFFE000  }
0x104: {  	_ =	swait.ge [sflag:s26], $0x40  }
0x105: {  	[sflag:s26] =	ssyncset.done $0x0  }
0x106: {  	[sflag:s26] =	ssyncadd.s32 $0xFFFFFFC0  }
0x107: {  	v1 =	vld [tilespmem:$0x8100];
	_ =	sdelay $0x4  }
0x108: {  	(xrf1) =	vunique.msk.u32 $0xffff, v1;
	_ =	sdelay $0xd  }
0x109: {  	_, v2, vm0 =	vpop (xrf1);
	_ =	sdelay $0x3  }
0x10a: {  	v2 =	vcvt.s32.f32 v2;
	_ =	sdelay $0x1  }
0x10b: {  	[tilespmem:v1+s18+$0x0] =	vst.idx.add.f32.msk vm0, v2  }
0x10c: {  	v1 =	vld [tilespmem:$0x8110];
	_ =	sdelay $0x4  }
0x10d: {  	(xrf1) =	vunique.msk.u32 $0xffff, v1;
	_ =	sdelay $0xd  }
0x10e: {  	_, v2, vm0 =	vpop (xrf1);
	_ =	sdelay $0x3  }
0x10f: {  	v2 =	vcvt.s32.f32 v2;
	_ =	sdelay $0x1  }
0x110: {  	[tilespmem:v1+s18+$0x0] =	vst.idx.add.f32.msk vm0, v2  }
0x111: {  	v1 =	vld [tilespmem:$0x8120];
	_ =	sdelay $0x4  }
0x112: {  	(xrf1) =	vunique.msk.u32 $0xffff, v1;
	_ =	sdelay $0xd  }
0x113: {  	_, v2, vm0 =	vpop (xrf1);
	_ =	sdelay $0x3  }
0x114: {  	v2 =	vcvt.s32.f32 v2;
	_ =	sdelay $0x1  }
0x115: {  	[tilespmem:v1+s18+$0x0] =	vst.idx.add.f32.msk vm0, v2  }
0x116: {  	v1 =	vld [tilespmem:$0x8130];
	_ =	sdelay $0x4  }
0x117: {  	(xrf1) =	vunique.msk.u32 $0xffff, v1;
	_ =	sdelay $0xd  }
0x118: {  	_, v2, vm0 =	vpop (xrf1);
	_ =	sdelay $0x3  }
0x119: {  	v2 =	vcvt.s32.f32 v2;
	_ =	sdelay $0x1  }
0x11a: {  	[tilespmem:v1+s18+$0x0] =	vst.idx.add.f32.msk vm0, v2  }
0x11b: {  	[spmem:s2] =	stream.indirect.scatter.add.f32 [tilespmem:s11], [sflag:$0xB], $0x80, s12, s19, $0xb8;
	[tilespmem:$0x1E280] =	vst v63  }
0x11c: {  	_ =	swait.ge [sflag:s28], $0x2000  }
0x11d: {  	[sflag:s28] =	ssyncset.done $0x0  }
0x11e: {  	s1 =	sadd.s32 @!p1 $0x1400, s1;
	s7 =	simm.s32 @!p1 $0x2000;
	[sflag:s28] =	ssyncadd.s32 $0xFFFFE000  }
0x11f: {  	[tilespmem:s7], [sflag:$0x2] =	stream.linear.gather @!p1 [hbm4b:s1+s31], $0x2000, $0x38;
	[tilespmem:$0x1E280] =	vst v63  }
0x120: {  	s1 =	simm.s32 @!p1 $0x8080  }
0x121: {  	[tilespmem:s1], [sflag:$0x6] =	stream.linear.gather @!p1 [hbm4b:s10+s31], $0x40, $0x38;
	[tilespmem:$0x1E280] =	vst v63  }
0x122: {  	_ =	swait.ge [sflag:s25], $0x2000  }
0x123: {  	[sflag:s25] =	ssyncset.done $0x0  }
0x124: {  	[sflag:s25] =	ssyncadd.s32 $0xFFFFE000  }
0x125: {  	_ =	swait.ge [sflag:s29], $0x40  }
0x126: {  	[sflag:s29] =	ssyncset.done $0x0  }
0x127: {  	[sflag:s29] =	ssyncadd.s32 $0xFFFFFFC0  }
0x128: {  	v1 =	vld [tilespmem:$0x8180];
	_ =	sdelay $0x4  }
0x129: {  	(xrf1) =	vunique.msk.u32 $0xffff, v1;
	_ =	sdelay $0xd  }
0x12a: {  	_, v2, vm0 =	vpop (xrf1);
	_ =	sdelay $0x3  }
0x12b: {  	v2 =	vcvt.s32.f32 v2;
	_ =	sdelay $0x1  }
0x12c: {  	[tilespmem:v1+s18+$0x0] =	vst.idx.add.f32.msk vm0, v2  }
0x12d: {  	v1 =	vld [tilespmem:$0x8190];
	_ =	sdelay $0x4  }
0x12e: {  	(xrf1) =	vunique.msk.u32 $0xffff, v1;
	_ =	sdelay $0xd  }
0x12f: {  	_, v2, vm0 =	vpop (xrf1);
	_ =	sdelay $0x3  }
0x130: {  	v2 =	vcvt.s32.f32 v2;
	_ =	sdelay $0x1  }
0x131: {  	[tilespmem:v1+s18+$0x0] =	vst.idx.add.f32.msk vm0, v2  }
0x132: {  	v1 =	vld [tilespmem:$0x81A0];
	_ =	sdelay $0x4  }
0x133: {  	(xrf1) =	vunique.msk.u32 $0xffff, v1;
	_ =	sdelay $0xd  }
0x134: {  	_, v2, vm0 =	vpop (xrf1);
	_ =	sdelay $0x3  }
0x135: {  	v2 =	vcvt.s32.f32 v2;
	_ =	sdelay $0x1  }
0x136: {  	[tilespmem:v1+s18+$0x0] =	vst.idx.add.f32.msk vm0, v2  }
0x137: {  	v1 =	vld [tilespmem:$0x81B0];
	_ =	sdelay $0x4  }
0x138: {  	(xrf1) =	vunique.msk.u32 $0xffff, v1;
	_ =	sdelay $0xd  }
0x139: {  	_, v2, vm0 =	vpop (xrf1);
	_ =	sdelay $0x3  }
0x13a: {  	v2 =	vcvt.s32.f32 v2;
	_ =	sdelay $0x1  }
.Ltmp4:
0x13b: {  	[tilespmem:v1+s18+$0x0] =	vst.idx.add.f32.msk vm0, v2;
	(pc) =	sbr.rel @p1 .LBB2_8-.Ltmp4, $4  }
0x13c: {  	[spmem:s2] =	stream.indirect.scatter.add.f32 [tilespmem:s13], [sflag:$0xC], $0x80, s15, s19, $0xb8;
	[tilespmem:$0x1E280] =	vst v63  }
0x13d: {  	_ =	swait.ge [sflag:s30], $0x2000  }
0x13e: {  	[sflag:s30] =	ssyncset.done $0x0  }
0x13f: {  	[sflag:s30] =	ssyncadd.s32 $0xFFFFE000  }
0x140: {  	s1 =	sadd.s32 s5, s21  }
.Ltmp5:
0x141: {  	s1 =	sadd.s32 $0x1800, s1;
	(pc) =	sbr.rel .LBB2_6-.Ltmp5, $4  }
0x142: {  	[tilespmem:s11], [sflag:$0x3] =	stream.linear.gather [hbm4b:s1+s4], $0x2000, $0x38;
	[tilespmem:$0x1E280] =	vst v63  }
0x143: {  	s5 =	sadd.s32 $0x1000, s5;
	s10 =	sadd.s32 $0x20, s10  }
0x144: {  	[tilespmem:s12], [sflag:$0x7] =	stream.linear.gather [hbm4b:s3+s4], $0x40, $0x38;
	[tilespmem:$0x1E280] =	vst v63  }
0x145: {  	s6 =	sadd.s32 $0x100, s6;
	s0 =	sadd.s32 $0x20, s0;
	s3 =	sadd.s32 $0x20, s3  }
.LBB2_9:
0x146: {  	_ =	sfence.sel $0x180000  }
0x147: {  	[bflag:$0x0] =	sbarrier.arrive $0xFFFF  }
0x148: {  	_ =	strace $0x90000047  }
0x149: {  	s0 =	stileid.u32;
	[bflag:$0x2] =	sbarrier.arrive $0xFFFF  }
0x14a: {  	p0 =	sne.s32 s0, $0x0;
	s0 =	rddreg [dreg:$0x5]  }
0x14b: {  	s0 =	sadd.s32 @!p0 $0x100000, s0  }
0x14c: {  	[sflag:s0] =	ssyncadd.tile.s32 @!p0 $0x1;
	_ =	shalt  }
.Lfunc_end2:
_tile_overlayer_lowered:
.L_overlay_start_2:
0x14d: {  	(tag) =	ssettag $0x2  }
0x14e: {  	s0 =	rddreg [dreg:$0x0];
	s2 =	stileid.u32  }
0x14f: {  	s1 =	rddreg [dreg:$0x1];
	p0 =	sne.s32 s2, $0x0  }
0x150: {  	s3 =	rddreg [dreg:$0x2];
	[bflag:$0x3] =	sbarrier.arrive $0xFFFF;
	s2 =	simm.s32 @!p0 $0x1C0D  }
0x151: {  	[timem:s3], [sflag:s2] =	dma.local @!p0 [hbm:s0], s1  }
0x152: {  	s0 =	simm.s32 @!p0 $0xD  }
0x153: {  	_ =	swait.ge @!p0 [sflag:s0], s1  }
0x154: {  	s1 =	ssub.s32 @!p0 $0x0, s1;
	[sflag:s0] =	ssyncset.done @!p0 $0x0  }
0x155: {  	[sflag:s0] =	ssyncadd.s32 @!p0 s1  }
0x156: {  	[bflag:$0x3] =	sbarrier.arrive $0xFFFF  }
0x157: {  	_ =	shalt  }

</sc_bundles>
